<compile_context>
chip_gen: v7x
topology: tpu7x:2x2x1
jax: 0.10.2.dev20260603
libtpu: 0.0.44.dev20260713+nightly
codegen_flags: <defaults>
</compile_context>

<pallas_src>
import functools

import jax
import jax.numpy as jnp
from jax import lax
from jax.experimental import pallas as pl
from jax.experimental.pallas import tpu as pltpu
from jax.experimental.pallas import tpu_sc as plsc

_VOCAB = 100000
_DIM = 128

_NC = 2
_NS = 16
_NW = _NC * _NS
_CHUNK = 128
_NBUF = 2


def _dyn_gather(v, idx):
    return lax.gather(
        v, idx[:, None],
        lax.GatherDimensionNumbers(
            offset_dims=(), collapsed_slice_dims=(0,), start_index_map=(0,)),
        (1,),
        mode=lax.GatherScatterMode.PROMISE_IN_BOUNDS,
    )


def _gather_rows(table, ids_flat):
    n = ids_flat.shape[0]
    per_w = n // _NW
    n_chunks = per_w // _CHUNK
    n_groups = n_chunks // _NBUF
    mesh = plsc.VectorSubcoreMesh(core_axis_name="c", subcore_axis_name="s")

    @functools.partial(
        pl.kernel,
        out_type=jax.ShapeDtypeStruct((2 * n, _DIM), jnp.float32),
        mesh=mesh,
        scratch_types=[
            pltpu.VMEM((per_w,), jnp.int32),
            [[pltpu.VMEM((_CHUNK,), jnp.int32) for _ in range(2)]
             for _ in range(_NBUF)],
            pltpu.VMEM((_NBUF, 2 * _CHUNK, _DIM), jnp.float32),
            pltpu.SemaphoreType.DMA,
            pltpu.SemaphoreType.DMA,
        ],
    )
    def k(table_hbm, ids_hbm, out_hbm, idv, idx2, rows_v, sem_g, sem_w):
        wid = lax.axis_index("s") * _NC + lax.axis_index("c")
        base = wid * per_w
        iota16 = lax.iota(jnp.int32, 16)
        dup_lo = iota16 >> 1
        dup_hi = (iota16 >> 1) + 8
        addv = (iota16 & 1) * _VOCAB
        pltpu.sync_copy(ids_hbm.at[pl.ds(base, per_w)], idv)

        def group(g, carry):
            gathers = []
            for b in range(_NBUF):

                @pl.when(g > 0)
                def _wait_prev_write():
                    pltpu.make_async_copy(
                        rows_v.at[b], out_hbm.at[pl.ds(0, 2 * _CHUNK)], sem_w
                    ).wait()

                off = (g * _NBUF + b) * _CHUNK
                for s in range(_CHUNK // 16):
                    v = idv[pl.ds(off + 16 * s, 16)]
                    g1 = _dyn_gather(v, dup_lo)
                    g2 = _dyn_gather(v, dup_hi)
                    half = (32 * s) // _CHUNK
                    col0 = (32 * s) % _CHUNK
                    idx2[b][half][pl.ds(col0, 16)] = g1 + addv
                    idx2[b][half][pl.ds(col0 + 16, 16)] = g2 + addv
                for h in range(2):
                    gathers.append(
                        pltpu.async_copy(
                            table_hbm.at[idx2[b][h]],
                            rows_v.at[b, pl.ds(h * _CHUNK, _CHUNK)],
                            sem_g,
                        )
                    )
            for b in range(_NBUF):
                start = base + (g * _NBUF + b) * _CHUNK
                gathers[2 * b].wait()
                gathers[2 * b + 1].wait()
                pltpu.async_copy(
                    rows_v.at[b], out_hbm.at[pl.ds(2 * start, 2 * _CHUNK)], sem_w
                )
            return carry

        lax.fori_loop(0, n_groups, group, 0, unroll=False)
        for b in range(_NBUF):
            pltpu.make_async_copy(
                rows_v.at[b], out_hbm.at[pl.ds(0, 2 * _CHUNK)], sem_w
            ).wait()

    return k(table, ids_flat)


def kernel(ids, embed_real, embed_imag):
    b, l = ids.shape
    table = jnp.concatenate([embed_real, embed_imag], axis=0)
    ids_flat = ids.reshape(-1).astype(jnp.int32)
    rows = _gather_rows(table, ids_flat)
    return rows.reshape(b, l, 2, _DIM).transpose(0, 1, 3, 2)

# --- scband reference (transcript-rebuilt; emitter-appended) ---
"""Pipeline reference for scband-complex-embed-33079838114539 (READ-ONLY COPY).

The authoritative reference and input builder live on the scoring server;
editing this copy changes nothing except your own understanding.
"""

import jax, jax.numpy as jnp
import numpy as np

VOCAB = 100000
DIM = 128
B = 4096
L = 200

def setup_inputs(seed: int = 0) -> dict:
    key = jax.random.key(seed)
    k_ids, k_real, k_imag = jax.random.split(key, 3)
    ids = jax.random.randint(k_ids, (B, L), 0, VOCAB, dtype=jnp.int64 if jax.config.read('jax_enable_x64') else jnp.int32)
    embed_real = jax.random.normal(k_real, (VOCAB, DIM), dtype=jnp.float32) * 0.02
    embed_imag = jax.random.normal(k_imag, (VOCAB, DIM), dtype=jnp.float32) * 0.02
    return {"ids": ids, "embed_real": embed_real, "embed_imag": embed_imag}

def reference(ids, embed_real, embed_imag):
    real = jnp.take(embed_real, ids, axis=0)
    imag = jnp.take(embed_imag, ids, axis=0)
    return jnp.stack([real, imag], axis=-1)

if __name__ == "__main__":
    import jax
    _d = setup_inputs()
    print(jax.jit(kernel)(*tuple(_d.values())))

</pallas_src>

<mosaic_0001>
#map = affine_map<(d0, d1) -> (0, 0)>
#map1 = affine_map<(d0, d1) -> (0)>
module attributes {stable_mosaic.version = 14 : i64} {
  func.func @k(%arg0: i32, %arg1: i32, %arg2: memref<200000x128xf32, #tpu.memory_space<hbm>>, %arg3: memref<819200xi32, #tpu.memory_space<hbm>>, %arg4: memref<1638400x128xf32, #tpu.memory_space<hbm>>, %arg5: memref<25600xi32, #tpu.memory_space<vmem>>, %arg6: memref<128xi32, #tpu.memory_space<vmem>>, %arg7: memref<128xi32, #tpu.memory_space<vmem>>, %arg8: memref<128xi32, #tpu.memory_space<vmem>>, %arg9: memref<128xi32, #tpu.memory_space<vmem>>, %arg10: memref<2x256x128xf32, #tpu.memory_space<vmem>>, %arg11: memref<!tpu.dma_semaphore, #tpu.memory_space<semaphore_mem>>, %arg12: memref<!tpu.dma_semaphore, #tpu.memory_space<semaphore_mem>>) attributes {dimension_semantics = [#tpu.dimension_semantics<core_parallel>, #tpu.dimension_semantics<subcore_parallel>], iteration_bounds = array<i64: 2, 16>, scalar_prefetch = 0 : i64, scratch_operands = 8 : i64, tpu.core_type = #tpu.core_type<sc_vector_subcore>, window_params = [{transform_indices = #map}, {transform_indices = #map1}, {transform_indices = #map}]} {
    %mul3A = arith.constant 2 : i32
    %mul3A_0 = arith.muli %arg1, %mul3A : i32
    %add3A = arith.addi %mul3A_0, %arg0 : i32
    %mul3A_1 = arith.constant 25600 : i32
    %mul3A_2 = arith.muli %add3A, %mul3A_1 : i32
    %iota3A = tpu.iota {dimensions = array<i32: 0>} : vector<16xi32>
    %shift_right_arithmetic3A = arith.constant 1 : i32
    %shift_right_arithmetic3A_3 = vector.broadcast %shift_right_arithmetic3A : i32 to vector<16xi32>
    %shift_right_arithmetic3A_4 = arith.shrsi %iota3A, %shift_right_arithmetic3A_3 : vector<16xi32>
    %shift_right_arithmetic3A_5 = arith.constant 1 : i32
    %shift_right_arithmetic3A_6 = vector.broadcast %shift_right_arithmetic3A_5 : i32 to vector<16xi32>
    %shift_right_arithmetic3A_7 = arith.shrsi %iota3A, %shift_right_arithmetic3A_6 : vector<16xi32>
    %add3A_8 = arith.constant 8 : i32
    %add3A_9 = vector.broadcast %add3A_8 : i32 to vector<16xi32>
    %add3A_10 = arith.addi %shift_right_arithmetic3A_7, %add3A_9 : vector<16xi32>
    %and3A = arith.constant 1 : i32
    %and3A_11 = vector.broadcast %and3A : i32 to vector<16xi32>
    %and3A_12 = arith.andi %iota3A, %and3A_11 : vector<16xi32>
    %mul3A_13 = arith.constant 100000 : i32
    %mul3A_14 = vector.broadcast %mul3A_13 : i32 to vector<16xi32>
    %mul3A_15 = arith.muli %and3A_12, %mul3A_14 : vector<16xi32>
    "tpu.region"() ({
      %run_scoped3A = tpu.sem_alloc : memref<!tpu.dma_semaphore, #tpu.memory_space<semaphore_mem>>
      %dma_start3A = tpu.memref_slice %arg3[%mul3A_2] : memref<819200xi32, #tpu.memory_space<hbm>> -> memref<25600xi32, #tpu.memory_space<hbm>>
      %dma_start3A_50 = tpu.memref_slice %arg3[%mul3A_2] : memref<819200xi32, #tpu.memory_space<hbm>> -> memref<25600xi32, #tpu.memory_space<hbm>>
      tpu.enqueue_dma source(%dma_start3A_50 : memref<25600xi32, #tpu.memory_space<hbm>>) target(%arg5 : memref<25600xi32, #tpu.memory_space<vmem>>) target_semaphore(%run_scoped3A : memref<!tpu.dma_semaphore, #tpu.memory_space<semaphore_mem>>)
      %dma_wait3A_51 = tpu.memref_slice %arg3[%mul3A_2] : memref<819200xi32, #tpu.memory_space<hbm>> -> memref<25600xi32, #tpu.memory_space<hbm>>
      %dma_wait3A_52 = tpu.memref_slice %arg3[%mul3A_2] : memref<819200xi32, #tpu.memory_space<hbm>> -> memref<25600xi32, #tpu.memory_space<hbm>>
      tpu.wait_dma2 semaphore(%run_scoped3A : memref<!tpu.dma_semaphore, #tpu.memory_space<semaphore_mem>>) src(%dma_wait3A_52 : memref<25600xi32, #tpu.memory_space<hbm>>) dst(%arg5 : memref<25600xi32, #tpu.memory_space<vmem>>)
      tpu.yield
    }) : () -> ()
    %scan3A = arith.constant 0 : i32
    %scan3A_16 = arith.constant 0 : i32
    %scan3A_17 = arith.constant 100 : i32
    %scan3A_18 = arith.addi %scan3A_16, %scan3A_17 : i32
    %scan3A_19 = arith.constant 1 : i32
    scf.for %scan3A_50 = %scan3A_16 to %scan3A_18 step %scan3A_19  : i32 {
      %gt3A = arith.constant 0 : i32
      %gt3A_51 = arith.cmpi sgt, %scan3A_50, %gt3A : i32
      %convert_element_type3A = arith.extui %gt3A_51 : i1 to i32
      %cond3A = arith.constant 0 : i32
      %cond3A_52 = arith.cmpi ne, %convert_element_type3A, %cond3A : i32
      scf.if %cond3A_52 {
        %dma_wait3A_509 = arith.constant 0 : i32
        %dma_wait3A_510 = arith.constant 0 : i32
        %dma_wait3A_511 = arith.constant 0 : i32
        %dma_wait3A_512 = tpu.memref_slice %arg10[%dma_wait3A_509, %dma_wait3A_510, %dma_wait3A_511] : memref<2x256x128xf32, #tpu.memory_space<vmem>> -> memref<1x256x128xf32, #tpu.memory_space<vmem>>
        %dma_wait3A_513 = tpu.memref_squeeze %dma_wait3A_512 : memref<1x256x128xf32, #tpu.memory_space<vmem>> -> memref<256x128xf32, #tpu.memory_space<vmem>>
        %dma_wait3A_514 = arith.constant 0 : i32
        %dma_wait3A_515 = arith.constant 0 : i32
        %dma_wait3A_516 = tpu.memref_slice %arg4[%dma_wait3A_514, %dma_wait3A_515] : memref<1638400x128xf32, #tpu.memory_space<hbm>> -> memref<256x128xf32, #tpu.memory_space<hbm>>
        %dma_wait3A_517 = arith.constant 0 : i32
        %dma_wait3A_518 = arith.constant 0 : i32
        %dma_wait3A_519 = tpu.memref_slice %arg4[%dma_wait3A_517, %dma_wait3A_518] : memref<1638400x128xf32, #tpu.memory_space<hbm>> -> memref<256x128xf32, #tpu.memory_space<hbm>>
        %dma_wait3A_520 = arith.constant 0 : i32
        %dma_wait3A_521 = arith.constant 0 : i32
        %dma_wait3A_522 = tpu.memref_slice %arg10[%dma_wait3A_509, %dma_wait3A_520, %dma_wait3A_521] : memref<2x256x128xf32, #tpu.memory_space<vmem>> -> memref<1x256x128xf32, #tpu.memory_space<vmem>>
        %dma_wait3A_523 = tpu.memref_squeeze %dma_wait3A_522 : memref<1x256x128xf32, #tpu.memory_space<vmem>> -> memref<256x128xf32, #tpu.memory_space<vmem>>
        tpu.wait_dma2 semaphore(%arg12 : memref<!tpu.dma_semaphore, #tpu.memory_space<semaphore_mem>>) src(%dma_wait3A_523 : memref<256x128xf32, #tpu.memory_space<vmem>>) dst(%dma_wait3A_519 : memref<256x128xf32, #tpu.memory_space<hbm>>)
      } else {
      }
      %mul3A_53 = arith.constant 2 : i32
      %mul3A_54 = arith.muli %scan3A_50, %mul3A_53 : i32
      %add3A_55 = arith.constant 0 : i32
      %add3A_56 = arith.addi %mul3A_54, %add3A_55 : i32
      %mul3A_57 = arith.constant 128 : i32
      %mul3A_58 = arith.muli %add3A_56, %mul3A_57 : i32
      %add3A_59 = arith.constant 0 : i32
      %add3A_60 = arith.addi %mul3A_58, %add3A_59 : i32
      %get3A = arith.index_cast %add3A_60 : i32 to index
      %get3A_61 = tpu.vector_load %arg5[%get3A] {strides = array<i32>} : memref<25600xi32, #tpu.memory_space<vmem>>, vector<16xi32>,
      %get3A_62 = vector.shape_cast %get3A_61 : vector<16xi32> to vector<16xi32>
      %broadcast_in_dim3A = vector.shape_cast %shift_right_arithmetic3A_4 : vector<16xi32> to vector<16x1xi32>
      %gather3A = vector.shape_cast %broadcast_in_dim3A : vector<16x1xi32> to vector<16xi32>
      %gather3A_63 = tpu.dynamic_gather %get3A_62[%gather3A] in [0] : vector<16xi32>, vector<16xi32> -> vector<16xi32>
      %broadcast_in_dim3A_64 = vector.shape_cast %add3A_10 : vector<16xi32> to vector<16x1xi32>
      %gather3A_65 = vector.shape_cast %broadcast_in_dim3A_64 : vector<16x1xi32> to vector<16xi32>
      %gather3A_66 = tpu.dynamic_gather %get3A_62[%gather3A_65] in [0] : vector<16xi32>, vector<16xi32> -> vector<16xi32>
      %add3A_67 = arith.addi %gather3A_63, %mul3A_15 : vector<16xi32>
      %swap3A = arith.constant 0 : index
      %swap3A_68 = tpu.vector_load %arg6[%swap3A] {strides = array<i32>} : memref<128xi32, #tpu.memory_space<vmem>>, vector<16xi32>,
      %swap3A_69 = vector.shape_cast %swap3A_68 : vector<16xi32> to vector<16xi32>
      %swap3A_70 = vector.shape_cast %add3A_67 : vector<16xi32> to vector<16xi32>
      tpu.vector_store %arg6[%swap3A], %swap3A_70 {strides = array<i32>} : memref<128xi32, #tpu.memory_space<vmem>>, vector<16xi32>,
      %add3A_71 = arith.addi %gather3A_66, %mul3A_15 : vector<16xi32>
      %swap3A_72 = arith.constant 16 : index
      %swap3A_73 = tpu.vector_load %arg6[%swap3A_72] {strides = array<i32>} : memref<128xi32, #tpu.memory_space<vmem>>, vector<16xi32>,
      %swap3A_74 = vector.shape_cast %swap3A_73 : vector<16xi32> to vector<16xi32>
      %swap3A_75 = vector.shape_cast %add3A_71 : vector<16xi32> to vector<16xi32>
      tpu.vector_store %arg6[%swap3A_72], %swap3A_75 {strides = array<i32>} : memref<128xi32, #tpu.memory_space<vmem>>, vector<16xi32>,
      %add3A_76 = arith.constant 16 : i32
      %add3A_77 = arith.addi %mul3A_58, %add3A_76 : i32
      %get3A_78 = arith.index_cast %add3A_77 : i32 to index
      %get3A_79 = tpu.vector_load %arg5[%get3A_78] {strides = array<i32>} : memref<25600xi32, #tpu.memory_space<vmem>>, vector<16xi32>,
      %get3A_80 = vector.shape_cast %get3A_79 : vector<16xi32> to vector<16xi32>
      %broadcast_in_dim3A_81 = vector.shape_cast %shift_right_arithmetic3A_4 : vector<16xi32> to vector<16x1xi32>
      %gather3A_82 = vector.shape_cast %broadcast_in_dim3A_81 : vector<16x1xi32> to vector<16xi32>
      %gather3A_83 = tpu.dynamic_gather %get3A_80[%gather3A_82] in [0] : vector<16xi32>, vector<16xi32> -> vector<16xi32>
      %broadcast_in_dim3A_84 = vector.shape_cast %add3A_10 : vector<16xi32> to vector<16x1xi32>
      %gather3A_85 = vector.shape_cast %broadcast_in_dim3A_84 : vector<16x1xi32> to vector<16xi32>
      %gather3A_86 = tpu.dynamic_gather %get3A_80[%gather3A_85] in [0] : vector<16xi32>, vector<16xi32> -> vector<16xi32>
      %add3A_87 = arith.addi %gather3A_83, %mul3A_15 : vector<16xi32>
      %swap3A_88 = arith.constant 32 : index
      %swap3A_89 = tpu.vector_load %arg6[%swap3A_88] {strides = array<i32>} : memref<128xi32, #tpu.memory_space<vmem>>, vector<16xi32>,
      %swap3A_90 = vector.shape_cast %swap3A_89 : vector<16xi32> to vector<16xi32>
      %swap3A_91 = vector.shape_cast %add3A_87 : vector<16xi32> to vector<16xi32>
      tpu.vector_store %arg6[%swap3A_88], %swap3A_91 {strides = array<i32>} : memref<128xi32, #tpu.memory_space<vmem>>, vector<16xi32>,
      %add3A_92 = arith.addi %gather3A_86, %mul3A_15 : vector<16xi32>
      %swap3A_93 = arith.constant 48 : index
      %swap3A_94 = tpu.vector_load %arg6[%swap3A_93] {strides = array<i32>} : memref<128xi32, #tpu.memory_space<vmem>>, vector<16xi32>,
      %swap3A_95 = vector.shape_cast %swap3A_94 : vector<16xi32> to vector<16xi32>
      %swap3A_96 = vector.shape_cast %add3A_92 : vector<16xi32> to vector<16xi32>
      tpu.vector_store %arg6[%swap3A_93], %swap3A_96 {strides = array<i32>} : memref<128xi32, #tpu.memory_space<vmem>>, vector<16xi32>,
      %add3A_97 = arith.constant 32 : i32
      %add3A_98 = arith.addi %mul3A_58, %add3A_97 : i32
      %get3A_99 = arith.index_cast %add3A_98 : i32 to index
      %get3A_100 = tpu.vector_load %arg5[%get3A_99] {strides = array<i32>} : memref<25600xi32, #tpu.memory_space<vmem>>, vector<16xi32>,
      %get3A_101 = vector.shape_cast %get3A_100 : vector<16xi32> to vector<16xi32>
      %broadcast_in_dim3A_102 = vector.shape_cast %shift_right_arithmetic3A_4 : vector<16xi32> to vector<16x1xi32>
      %gather3A_103 = vector.shape_cast %broadcast_in_dim3A_102 : vector<16x1xi32> to vector<16xi32>
      %gather3A_104 = tpu.dynamic_gather %get3A_101[%gather3A_103] in [0] : vector<16xi32>, vector<16xi32> -> vector<16xi32>
      %broadcast_in_dim3A_105 = vector.shape_cast %add3A_10 : vector<16xi32> to vector<16x1xi32>
      %gather3A_106 = vector.shape_cast %broadcast_in_dim3A_105 : vector<16x1xi32> to vector<16xi32>
      %gather3A_107 = tpu.dynamic_gather %get3A_101[%gather3A_106] in [0] : vector<16xi32>, vector<16xi32> -> vector<16xi32>
      %add3A_108 = arith.addi %gather3A_104, %mul3A_15 : vector<16xi32>
      %swap3A_109 = arith.constant 64 : index
      %swap3A_110 = tpu.vector_load %arg6[%swap3A_109] {strides = array<i32>} : memref<128xi32, #tpu.memory_space<vmem>>, vector<16xi32>,
      %swap3A_111 = vector.shape_cast %swap3A_110 : vector<16xi32> to vector<16xi32>
      %swap3A_112 = vector.shape_cast %add3A_108 : vector<16xi32> to vector<16xi32>
      tpu.vector_store %arg6[%swap3A_109], %swap3A_112 {strides = array<i32>} : memref<128xi32, #tpu.memory_space<vmem>>, vector<16xi32>,
      %add3A_113 = arith.addi %gather3A_107, %mul3A_15 : vector<16xi32>
      %swap3A_114 = arith.constant 80 : index
      %swap3A_115 = tpu.vector_load %arg6[%swap3A_114] {strides = array<i32>} : memref<128xi32, #tpu.memory_space<vmem>>, vector<16xi32>,
      %swap3A_116 = vector.shape_cast %swap3A_115 : vector<16xi32> to vector<16xi32>
      %swap3A_117 = vector.shape_cast %add3A_113 : vector<16xi32> to vector<16xi32>
      tpu.vector_store %arg6[%swap3A_114], %swap3A_117 {strides = array<i32>} : memref<128xi32, #tpu.memory_space<vmem>>, vector<16xi32>,
      %add3A_118 = arith.constant 48 : i32
      %add3A_119 = arith.addi %mul3A_58, %add3A_118 : i32
      %get3A_120 = arith.index_cast %add3A_119 : i32 to index
      %get3A_121 = tpu.vector_load %arg5[%get3A_120] {strides = array<i32>} : memref<25600xi32, #tpu.memory_space<vmem>>, vector<16xi32>,
      %get3A_122 = vector.shape_cast %get3A_121 : vector<16xi32> to vector<16xi32>
      %broadcast_in_dim3A_123 = vector.shape_cast %shift_right_arithmetic3A_4 : vector<16xi32> to vector<16x1xi32>
      %gather3A_124 = vector.shape_cast %broadcast_in_dim3A_123 : vector<16x1xi32> to vector<16xi32>
      %gather3A_125 = tpu.dynamic_gather %get3A_122[%gather3A_124] in [0] : vector<16xi32>, vector<16xi32> -> vector<16xi32>
      %broadcast_in_dim3A_126 = vector.shape_cast %add3A_10 : vector<16xi32> to vector<16x1xi32>
      %gather3A_127 = vector.shape_cast %broadcast_in_dim3A_126 : vector<16x1xi32> to vector<16xi32>
      %gather3A_128 = tpu.dynamic_gather %get3A_122[%gather3A_127] in [0] : vector<16xi32>, vector<16xi32> -> vector<16xi32>
      %add3A_129 = arith.addi %gather3A_125, %mul3A_15 : vector<16xi32>
      %swap3A_130 = arith.constant 96 : index
      %swap3A_131 = tpu.vector_load %arg6[%swap3A_130] {strides = array<i32>} : memref<128xi32, #tpu.memory_space<vmem>>, vector<16xi32>,
      %swap3A_132 = vector.shape_cast %swap3A_131 : vector<16xi32> to vector<16xi32>
      %swap3A_133 = vector.shape_cast %add3A_129 : vector<16xi32> to vector<16xi32>
      tpu.vector_store %arg6[%swap3A_130], %swap3A_133 {strides = array<i32>} : memref<128xi32, #tpu.memory_space<vmem>>, vector<16xi32>,
      %add3A_134 = arith.addi %gather3A_128, %mul3A_15 : vector<16xi32>
      %swap3A_135 = arith.constant 112 : index
      %swap3A_136 = tpu.vector_load %arg6[%swap3A_135] {strides = array<i32>} : memref<128xi32, #tpu.memory_space<vmem>>, vector<16xi32>,
      %swap3A_137 = vector.shape_cast %swap3A_136 : vector<16xi32> to vector<16xi32>
      %swap3A_138 = vector.shape_cast %add3A_134 : vector<16xi32> to vector<16xi32>
      tpu.vector_store %arg6[%swap3A_135], %swap3A_138 {strides = array<i32>} : memref<128xi32, #tpu.memory_space<vmem>>, vector<16xi32>,
      %add3A_139 = arith.constant 64 : i32
      %add3A_140 = arith.addi %mul3A_58, %add3A_139 : i32
      %get3A_141 = arith.index_cast %add3A_140 : i32 to index
      %get3A_142 = tpu.vector_load %arg5[%get3A_141] {strides = array<i32>} : memref<25600xi32, #tpu.memory_space<vmem>>, vector<16xi32>,
      %get3A_143 = vector.shape_cast %get3A_142 : vector<16xi32> to vector<16xi32>
      %broadcast_in_dim3A_144 = vector.shape_cast %shift_right_arithmetic3A_4 : vector<16xi32> to vector<16x1xi32>
      %gather3A_145 = vector.shape_cast %broadcast_in_dim3A_144 : vector<16x1xi32> to vector<16xi32>
      %gather3A_146 = tpu.dynamic_gather %get3A_143[%gather3A_145] in [0] : vector<16xi32>, vector<16xi32> -> vector<16xi32>
      %broadcast_in_dim3A_147 = vector.shape_cast %add3A_10 : vector<16xi32> to vector<16x1xi32>
      %gather3A_148 = vector.shape_cast %broadcast_in_dim3A_147 : vector<16x1xi32> to vector<16xi32>
      %gather3A_149 = tpu.dynamic_gather %get3A_143[%gather3A_148] in [0] : vector<16xi32>, vector<16xi32> -> vector<16xi32>
      %add3A_150 = arith.addi %gather3A_146, %mul3A_15 : vector<16xi32>
      %swap3A_151 = arith.constant 0 : index
      %swap3A_152 = tpu.vector_load %arg7[%swap3A_151] {strides = array<i32>} : memref<128xi32, #tpu.memory_space<vmem>>, vector<16xi32>,
      %swap3A_153 = vector.shape_cast %swap3A_152 : vector<16xi32> to vector<16xi32>
      %swap3A_154 = vector.shape_cast %add3A_150 : vector<16xi32> to vector<16xi32>
      tpu.vector_store %arg7[%swap3A_151], %swap3A_154 {strides = array<i32>} : memref<128xi32, #tpu.memory_space<vmem>>, vector<16xi32>,
      %add3A_155 = arith.addi %gather3A_149, %mul3A_15 : vector<16xi32>
      %swap3A_156 = arith.constant 16 : index
      %swap3A_157 = tpu.vector_load %arg7[%swap3A_156] {strides = array<i32>} : memref<128xi32, #tpu.memory_space<vmem>>, vector<16xi32>,
      %swap3A_158 = vector.shape_cast %swap3A_157 : vector<16xi32> to vector<16xi32>
      %swap3A_159 = vector.shape_cast %add3A_155 : vector<16xi32> to vector<16xi32>
      tpu.vector_store %arg7[%swap3A_156], %swap3A_159 {strides = array<i32>} : memref<128xi32, #tpu.memory_space<vmem>>, vector<16xi32>,
      %add3A_160 = arith.constant 80 : i32
      %add3A_161 = arith.addi %mul3A_58, %add3A_160 : i32
      %get3A_162 = arith.index_cast %add3A_161 : i32 to index
      %get3A_163 = tpu.vector_load %arg5[%get3A_162] {strides = array<i32>} : memref<25600xi32, #tpu.memory_space<vmem>>, vector<16xi32>,
      %get3A_164 = vector.shape_cast %get3A_163 : vector<16xi32> to vector<16xi32>
      %broadcast_in_dim3A_165 = vector.shape_cast %shift_right_arithmetic3A_4 : vector<16xi32> to vector<16x1xi32>
      %gather3A_166 = vector.shape_cast %broadcast_in_dim3A_165 : vector<16x1xi32> to vector<16xi32>
      %gather3A_167 = tpu.dynamic_gather %get3A_164[%gather3A_166] in [0] : vector<16xi32>, vector<16xi32> -> vector<16xi32>
      %broadcast_in_dim3A_168 = vector.shape_cast %add3A_10 : vector<16xi32> to vector<16x1xi32>
      %gather3A_169 = vector.shape_cast %broadcast_in_dim3A_168 : vector<16x1xi32> to vector<16xi32>
      %gather3A_170 = tpu.dynamic_gather %get3A_164[%gather3A_169] in [0] : vector<16xi32>, vector<16xi32> -> vector<16xi32>
      %add3A_171 = arith.addi %gather3A_167, %mul3A_15 : vector<16xi32>
      %swap3A_172 = arith.constant 32 : index
      %swap3A_173 = tpu.vector_load %arg7[%swap3A_172] {strides = array<i32>} : memref<128xi32, #tpu.memory_space<vmem>>, vector<16xi32>,
      %swap3A_174 = vector.shape_cast %swap3A_173 : vector<16xi32> to vector<16xi32>
      %swap3A_175 = vector.shape_cast %add3A_171 : vector<16xi32> to vector<16xi32>
      tpu.vector_store %arg7[%swap3A_172], %swap3A_175 {strides = array<i32>} : memref<128xi32, #tpu.memory_space<vmem>>, vector<16xi32>,
      %add3A_176 = arith.addi %gather3A_170, %mul3A_15 : vector<16xi32>
      %swap3A_177 = arith.constant 48 : index
      %swap3A_178 = tpu.vector_load %arg7[%swap3A_177] {strides = array<i32>} : memref<128xi32, #tpu.memory_space<vmem>>, vector<16xi32>,
      %swap3A_179 = vector.shape_cast %swap3A_178 : vector<16xi32> to vector<16xi32>
      %swap3A_180 = vector.shape_cast %add3A_176 : vector<16xi32> to vector<16xi32>
      tpu.vector_store %arg7[%swap3A_177], %swap3A_180 {strides = array<i32>} : memref<128xi32, #tpu.memory_space<vmem>>, vector<16xi32>,
      %add3A_181 = arith.constant 96 : i32
      %add3A_182 = arith.addi %mul3A_58, %add3A_181 : i32
      %get3A_183 = arith.index_cast %add3A_182 : i32 to index
      %get3A_184 = tpu.vector_load %arg5[%get3A_183] {strides = array<i32>} : memref<25600xi32, #tpu.memory_space<vmem>>, vector<16xi32>,
      %get3A_185 = vector.shape_cast %get3A_184 : vector<16xi32> to vector<16xi32>
      %broadcast_in_dim3A_186 = vector.shape_cast %shift_right_arithmetic3A_4 : vector<16xi32> to vector<16x1xi32>
      %gather3A_187 = vector.shape_cast %broadcast_in_dim3A_186 : vector<16x1xi32> to vector<16xi32>
      %gather3A_188 = tpu.dynamic_gather %get3A_185[%gather3A_187] in [0] : vector<16xi32>, vector<16xi32> -> vector<16xi32>
      %broadcast_in_dim3A_189 = vector.shape_cast %add3A_10 : vector<16xi32> to vector<16x1xi32>
      %gather3A_190 = vector.shape_cast %broadcast_in_dim3A_189 : vector<16x1xi32> to vector<16xi32>
      %gather3A_191 = tpu.dynamic_gather %get3A_185[%gather3A_190] in [0] : vector<16xi32>, vector<16xi32> -> vector<16xi32>
      %add3A_192 = arith.addi %gather3A_188, %mul3A_15 : vector<16xi32>
      %swap3A_193 = arith.constant 64 : index
      %swap3A_194 = tpu.vector_load %arg7[%swap3A_193] {strides = array<i32>} : memref<128xi32, #tpu.memory_space<vmem>>, vector<16xi32>,
      %swap3A_195 = vector.shape_cast %swap3A_194 : vector<16xi32> to vector<16xi32>
      %swap3A_196 = vector.shape_cast %add3A_192 : vector<16xi32> to vector<16xi32>
      tpu.vector_store %arg7[%swap3A_193], %swap3A_196 {strides = array<i32>} : memref<128xi32, #tpu.memory_space<vmem>>, vector<16xi32>,
      %add3A_197 = arith.addi %gather3A_191, %mul3A_15 : vector<16xi32>
      %swap3A_198 = arith.constant 80 : index
      %swap3A_199 = tpu.vector_load %arg7[%swap3A_198] {strides = array<i32>} : memref<128xi32, #tpu.memory_space<vmem>>, vector<16xi32>,
      %swap3A_200 = vector.shape_cast %swap3A_199 : vector<16xi32> to vector<16xi32>
      %swap3A_201 = vector.shape_cast %add3A_197 : vector<16xi32> to vector<16xi32>
      tpu.vector_store %arg7[%swap3A_198], %swap3A_201 {strides = array<i32>} : memref<128xi32, #tpu.memory_space<vmem>>, vector<16xi32>,
      %add3A_202 = arith.constant 112 : i32
      %add3A_203 = arith.addi %mul3A_58, %add3A_202 : i32
      %get3A_204 = arith.index_cast %add3A_203 : i32 to index
      %get3A_205 = tpu.vector_load %arg5[%get3A_204] {strides = array<i32>} : memref<25600xi32, #tpu.memory_space<vmem>>, vector<16xi32>,
      %get3A_206 = vector.shape_cast %get3A_205 : vector<16xi32> to vector<16xi32>
      %broadcast_in_dim3A_207 = vector.shape_cast %shift_right_arithmetic3A_4 : vector<16xi32> to vector<16x1xi32>
      %gather3A_208 = vector.shape_cast %broadcast_in_dim3A_207 : vector<16x1xi32> to vector<16xi32>
      %gather3A_209 = tpu.dynamic_gather %get3A_206[%gather3A_208] in [0] : vector<16xi32>, vector<16xi32> -> vector<16xi32>
      %broadcast_in_dim3A_210 = vector.shape_cast %add3A_10 : vector<16xi32> to vector<16x1xi32>
      %gather3A_211 = vector.shape_cast %broadcast_in_dim3A_210 : vector<16x1xi32> to vector<16xi32>
      %gather3A_212 = tpu.dynamic_gather %get3A_206[%gather3A_211] in [0] : vector<16xi32>, vector<16xi32> -> vector<16xi32>
      %add3A_213 = arith.addi %gather3A_209, %mul3A_15 : vector<16xi32>
      %swap3A_214 = arith.constant 96 : index
      %swap3A_215 = tpu.vector_load %arg7[%swap3A_214] {strides = array<i32>} : memref<128xi32, #tpu.memory_space<vmem>>, vector<16xi32>,
      %swap3A_216 = vector.shape_cast %swap3A_215 : vector<16xi32> to vector<16xi32>
      %swap3A_217 = vector.shape_cast %add3A_213 : vector<16xi32> to vector<16xi32>
      tpu.vector_store %arg7[%swap3A_214], %swap3A_217 {strides = array<i32>} : memref<128xi32, #tpu.memory_space<vmem>>, vector<16xi32>,
      %add3A_218 = arith.addi %gather3A_212, %mul3A_15 : vector<16xi32>
      %swap3A_219 = arith.constant 112 : index
      %swap3A_220 = tpu.vector_load %arg7[%swap3A_219] {strides = array<i32>} : memref<128xi32, #tpu.memory_space<vmem>>, vector<16xi32>,
      %swap3A_221 = vector.shape_cast %swap3A_220 : vector<16xi32> to vector<16xi32>
      %swap3A_222 = vector.shape_cast %add3A_218 : vector<16xi32> to vector<16xi32>
      tpu.vector_store %arg7[%swap3A_219], %swap3A_222 {strides = array<i32>} : memref<128xi32, #tpu.memory_space<vmem>>, vector<16xi32>,
      %dma_start3A = arith.constant 0 : i32
      %dma_start3A_223 = arith.constant 0 : i32
      %dma_start3A_224 = arith.constant 0 : i32
      %dma_start3A_225 = tpu.memref_slice %arg10[%dma_start3A, %dma_start3A_223, %dma_start3A_224] : memref<2x256x128xf32, #tpu.memory_space<vmem>> -> memref<1x128x128xf32, #tpu.memory_space<vmem>>
      %dma_start3A_226 = tpu.memref_squeeze %dma_start3A_225 : memref<1x128x128xf32, #tpu.memory_space<vmem>> -> memref<128x128xf32, #tpu.memory_space<vmem>>
      %dma_start3A_227 = arith.constant 0 : i32
      %dma_start3A_228 = arith.constant 0 : i32
      %dma_start3A_229 = tpu.memref_slice %arg2[%dma_start3A_227, %dma_start3A_228] : memref<200000x128xf32, #tpu.memory_space<hbm>> -> memref<200000x128xf32, #tpu.memory_space<hbm>>
      tpu.enqueue_indirect_dma source(%dma_start3A_229 : memref<200000x128xf32, #tpu.memory_space<hbm>>) target(%dma_start3A_226 : memref<128x128xf32, #tpu.memory_space<vmem>>) offsets(%arg6 : memref<128xi32, #tpu.memory_space<vmem>>) semaphore(%arg11 : memref<!tpu.dma_semaphore, #tpu.memory_space<semaphore_mem>>)
      %dma_start3A_230 = arith.constant 0 : i32
      %dma_start3A_231 = arith.constant 128 : i32
      %dma_start3A_232 = arith.constant 0 : i32
      %dma_start3A_233 = tpu.memref_slice %arg10[%dma_start3A_230, %dma_start3A_231, %dma_start3A_232] : memref<2x256x128xf32, #tpu.memory_space<vmem>> -> memref<1x128x128xf32, #tpu.memory_space<vmem>>
      %dma_start3A_234 = tpu.memref_squeeze %dma_start3A_233 : memref<1x128x128xf32, #tpu.memory_space<vmem>> -> memref<128x128xf32, #tpu.memory_space<vmem>>
      %dma_start3A_235 = arith.constant 0 : i32
      %dma_start3A_236 = arith.constant 0 : i32
      %dma_start3A_237 = tpu.memref_slice %arg2[%dma_start3A_235, %dma_start3A_236] : memref<200000x128xf32, #tpu.memory_space<hbm>> -> memref<200000x128xf32, #tpu.memory_space<hbm>>
      tpu.enqueue_indirect_dma source(%dma_start3A_237 : memref<200000x128xf32, #tpu.memory_space<hbm>>) target(%dma_start3A_234 : memref<128x128xf32, #tpu.memory_space<vmem>>) offsets(%arg7 : memref<128xi32, #tpu.memory_space<vmem>>) semaphore(%arg11 : memref<!tpu.dma_semaphore, #tpu.memory_space<semaphore_mem>>)
      %gt3A_238 = arith.constant 0 : i32
      %gt3A_239 = arith.cmpi sgt, %scan3A_50, %gt3A_238 : i32
      %convert_element_type3A_240 = arith.extui %gt3A_239 : i1 to i32
      %cond3A_241 = arith.constant 0 : i32
      %cond3A_242 = arith.cmpi ne, %convert_element_type3A_240, %cond3A_241 : i32
      scf.if %cond3A_242 {
        %dma_wait3A_509 = arith.constant 1 : i32
        %dma_wait3A_510 = arith.constant 0 : i32
        %dma_wait3A_511 = arith.constant 0 : i32
        %dma_wait3A_512 = tpu.memref_slice %arg10[%dma_wait3A_509, %dma_wait3A_510, %dma_wait3A_511] : memref<2x256x128xf32, #tpu.memory_space<vmem>> -> memref<1x256x128xf32, #tpu.memory_space<vmem>>
        %dma_wait3A_513 = tpu.memref_squeeze %dma_wait3A_512 : memref<1x256x128xf32, #tpu.memory_space<vmem>> -> memref<256x128xf32, #tpu.memory_space<vmem>>
        %dma_wait3A_514 = arith.constant 0 : i32
        %dma_wait3A_515 = arith.constant 0 : i32
        %dma_wait3A_516 = tpu.memref_slice %arg4[%dma_wait3A_514, %dma_wait3A_515] : memref<1638400x128xf32, #tpu.memory_space<hbm>> -> memref<256x128xf32, #tpu.memory_space<hbm>>
        %dma_wait3A_517 = arith.constant 0 : i32
        %dma_wait3A_518 = arith.constant 0 : i32
        %dma_wait3A_519 = tpu.memref_slice %arg4[%dma_wait3A_517, %dma_wait3A_518] : memref<1638400x128xf32, #tpu.memory_space<hbm>> -> memref<256x128xf32, #tpu.memory_space<hbm>>
        %dma_wait3A_520 = arith.constant 0 : i32
        %dma_wait3A_521 = arith.constant 0 : i32
        %dma_wait3A_522 = tpu.memref_slice %arg10[%dma_wait3A_509, %dma_wait3A_520, %dma_wait3A_521] : memref<2x256x128xf32, #tpu.memory_space<vmem>> -> memref<1x256x128xf32, #tpu.memory_space<vmem>>
        %dma_wait3A_523 = tpu.memref_squeeze %dma_wait3A_522 : memref<1x256x128xf32, #tpu.memory_space<vmem>> -> memref<256x128xf32, #tpu.memory_space<vmem>>
        tpu.wait_dma2 semaphore(%arg12 : memref<!tpu.dma_semaphore, #tpu.memory_space<semaphore_mem>>) src(%dma_wait3A_523 : memref<256x128xf32, #tpu.memory_space<vmem>>) dst(%dma_wait3A_519 : memref<256x128xf32, #tpu.memory_space<hbm>>)
      } else {
      }
      %mul3A_243 = arith.constant 2 : i32
      %mul3A_244 = arith.muli %scan3A_50, %mul3A_243 : i32
      %add3A_245 = arith.constant 1 : i32
      %add3A_246 = arith.addi %mul3A_244, %add3A_245 : i32
      %mul3A_247 = arith.constant 128 : i32
      %mul3A_248 = arith.muli %add3A_246, %mul3A_247 : i32
      %add3A_249 = arith.constant 0 : i32
      %add3A_250 = arith.addi %mul3A_248, %add3A_249 : i32
      %get3A_251 = arith.index_cast %add3A_250 : i32 to index
      %get3A_252 = tpu.vector_load %arg5[%get3A_251] {strides = array<i32>} : memref<25600xi32, #tpu.memory_space<vmem>>, vector<16xi32>,
      %get3A_253 = vector.shape_cast %get3A_252 : vector<16xi32> to vector<16xi32>
      %broadcast_in_dim3A_254 = vector.shape_cast %shift_right_arithmetic3A_4 : vector<16xi32> to vector<16x1xi32>
      %gather3A_255 = vector.shape_cast %broadcast_in_dim3A_254 : vector<16x1xi32> to vector<16xi32>
      %gather3A_256 = tpu.dynamic_gather %get3A_253[%gather3A_255] in [0] : vector<16xi32>, vector<16xi32> -> vector<16xi32>
      %broadcast_in_dim3A_257 = vector.shape_cast %add3A_10 : vector<16xi32> to vector<16x1xi32>
      %gather3A_258 = vector.shape_cast %broadcast_in_dim3A_257 : vector<16x1xi32> to vector<16xi32>
      %gather3A_259 = tpu.dynamic_gather %get3A_253[%gather3A_258] in [0] : vector<16xi32>, vector<16xi32> -> vector<16xi32>
      %add3A_260 = arith.addi %gather3A_256, %mul3A_15 : vector<16xi32>
      %swap3A_261 = arith.constant 0 : index
      %swap3A_262 = tpu.vector_load %arg8[%swap3A_261] {strides = array<i32>} : memref<128xi32, #tpu.memory_space<vmem>>, vector<16xi32>,
      %swap3A_263 = vector.shape_cast %swap3A_262 : vector<16xi32> to vector<16xi32>
      %swap3A_264 = vector.shape_cast %add3A_260 : vector<16xi32> to vector<16xi32>
      tpu.vector_store %arg8[%swap3A_261], %swap3A_264 {strides = array<i32>} : memref<128xi32, #tpu.memory_space<vmem>>, vector<16xi32>,
      %add3A_265 = arith.addi %gather3A_259, %mul3A_15 : vector<16xi32>
      %swap3A_266 = arith.constant 16 : index
      %swap3A_267 = tpu.vector_load %arg8[%swap3A_266] {strides = array<i32>} : memref<128xi32, #tpu.memory_space<vmem>>, vector<16xi32>,
      %swap3A_268 = vector.shape_cast %swap3A_267 : vector<16xi32> to vector<16xi32>
      %swap3A_269 = vector.shape_cast %add3A_265 : vector<16xi32> to vector<16xi32>
      tpu.vector_store %arg8[%swap3A_266], %swap3A_269 {strides = array<i32>} : memref<128xi32, #tpu.memory_space<vmem>>, vector<16xi32>,
      %add3A_270 = arith.constant 16 : i32
      %add3A_271 = arith.addi %mul3A_248, %add3A_270 : i32
      %get3A_272 = arith.index_cast %add3A_271 : i32 to index
      %get3A_273 = tpu.vector_load %arg5[%get3A_272] {strides = array<i32>} : memref<25600xi32, #tpu.memory_space<vmem>>, vector<16xi32>,
      %get3A_274 = vector.shape_cast %get3A_273 : vector<16xi32> to vector<16xi32>
      %broadcast_in_dim3A_275 = vector.shape_cast %shift_right_arithmetic3A_4 : vector<16xi32> to vector<16x1xi32>
      %gather3A_276 = vector.shape_cast %broadcast_in_dim3A_275 : vector<16x1xi32> to vector<16xi32>
      %gather3A_277 = tpu.dynamic_gather %get3A_274[%gather3A_276] in [0] : vector<16xi32>, vector<16xi32> -> vector<16xi32>
      %broadcast_in_dim3A_278 = vector.shape_cast %add3A_10 : vector<16xi32> to vector<16x1xi32>
      %gather3A_279 = vector.shape_cast %broadcast_in_dim3A_278 : vector<16x1xi32> to vector<16xi32>
      %gather3A_280 = tpu.dynamic_gather %get3A_274[%gather3A_279] in [0] : vector<16xi32>, vector<16xi32> -> vector<16xi32>
      %add3A_281 = arith.addi %gather3A_277, %mul3A_15 : vector<16xi32>
      %swap3A_282 = arith.constant 32 : index
      %swap3A_283 = tpu.vector_load %arg8[%swap3A_282] {strides = array<i32>} : memref<128xi32, #tpu.memory_space<vmem>>, vector<16xi32>,
      %swap3A_284 = vector.shape_cast %swap3A_283 : vector<16xi32> to vector<16xi32>
      %swap3A_285 = vector.shape_cast %add3A_281 : vector<16xi32> to vector<16xi32>
      tpu.vector_store %arg8[%swap3A_282], %swap3A_285 {strides = array<i32>} : memref<128xi32, #tpu.memory_space<vmem>>, vector<16xi32>,
      %add3A_286 = arith.addi %gather3A_280, %mul3A_15 : vector<16xi32>
      %swap3A_287 = arith.constant 48 : index
      %swap3A_288 = tpu.vector_load %arg8[%swap3A_287] {strides = array<i32>} : memref<128xi32, #tpu.memory_space<vmem>>, vector<16xi32>,
      %swap3A_289 = vector.shape_cast %swap3A_288 : vector<16xi32> to vector<16xi32>
      %swap3A_290 = vector.shape_cast %add3A_286 : vector<16xi32> to vector<16xi32>
      tpu.vector_store %arg8[%swap3A_287], %swap3A_290 {strides = array<i32>} : memref<128xi32, #tpu.memory_space<vmem>>, vector<16xi32>,
      %add3A_291 = arith.constant 32 : i32
      %add3A_292 = arith.addi %mul3A_248, %add3A_291 : i32
      %get3A_293 = arith.index_cast %add3A_292 : i32 to index
      %get3A_294 = tpu.vector_load %arg5[%get3A_293] {strides = array<i32>} : memref<25600xi32, #tpu.memory_space<vmem>>, vector<16xi32>,
      %get3A_295 = vector.shape_cast %get3A_294 : vector<16xi32> to vector<16xi32>
      %broadcast_in_dim3A_296 = vector.shape_cast %shift_right_arithmetic3A_4 : vector<16xi32> to vector<16x1xi32>
      %gather3A_297 = vector.shape_cast %broadcast_in_dim3A_296 : vector<16x1xi32> to vector<16xi32>
      %gather3A_298 = tpu.dynamic_gather %get3A_295[%gather3A_297] in [0] : vector<16xi32>, vector<16xi32> -> vector<16xi32>
      %broadcast_in_dim3A_299 = vector.shape_cast %add3A_10 : vector<16xi32> to vector<16x1xi32>
      %gather3A_300 = vector.shape_cast %broadcast_in_dim3A_299 : vector<16x1xi32> to vector<16xi32>
      %gather3A_301 = tpu.dynamic_gather %get3A_295[%gather3A_300] in [0] : vector<16xi32>, vector<16xi32> -> vector<16xi32>
      %add3A_302 = arith.addi %gather3A_298, %mul3A_15 : vector<16xi32>
      %swap3A_303 = arith.constant 64 : index
      %swap3A_304 = tpu.vector_load %arg8[%swap3A_303] {strides = array<i32>} : memref<128xi32, #tpu.memory_space<vmem>>, vector<16xi32>,
      %swap3A_305 = vector.shape_cast %swap3A_304 : vector<16xi32> to vector<16xi32>
      %swap3A_306 = vector.shape_cast %add3A_302 : vector<16xi32> to vector<16xi32>
      tpu.vector_store %arg8[%swap3A_303], %swap3A_306 {strides = array<i32>} : memref<128xi32, #tpu.memory_space<vmem>>, vector<16xi32>,
      %add3A_307 = arith.addi %gather3A_301, %mul3A_15 : vector<16xi32>
      %swap3A_308 = arith.constant 80 : index
      %swap3A_309 = tpu.vector_load %arg8[%swap3A_308] {strides = array<i32>} : memref<128xi32, #tpu.memory_space<vmem>>, vector<16xi32>,
      %swap3A_310 = vector.shape_cast %swap3A_309 : vector<16xi32> to vector<16xi32>
      %swap3A_311 = vector.shape_cast %add3A_307 : vector<16xi32> to vector<16xi32>
      tpu.vector_store %arg8[%swap3A_308], %swap3A_311 {strides = array<i32>} : memref<128xi32, #tpu.memory_space<vmem>>, vector<16xi32>,
      %add3A_312 = arith.constant 48 : i32
      %add3A_313 = arith.addi %mul3A_248, %add3A_312 : i32
      %get3A_314 = arith.index_cast %add3A_313 : i32 to index
      %get3A_315 = tpu.vector_load %arg5[%get3A_314] {strides = array<i32>} : memref<25600xi32, #tpu.memory_space<vmem>>, vector<16xi32>,
      %get3A_316 = vector.shape_cast %get3A_315 : vector<16xi32> to vector<16xi32>
      %broadcast_in_dim3A_317 = vector.shape_cast %shift_right_arithmetic3A_4 : vector<16xi32> to vector<16x1xi32>
      %gather3A_318 = vector.shape_cast %broadcast_in_dim3A_317 : vector<16x1xi32> to vector<16xi32>
      %gather3A_319 = tpu.dynamic_gather %get3A_316[%gather3A_318] in [0] : vector<16xi32>, vector<16xi32> -> vector<16xi32>
      %broadcast_in_dim3A_320 = vector.shape_cast %add3A_10 : vector<16xi32> to vector<16x1xi32>
      %gather3A_321 = vector.shape_cast %broadcast_in_dim3A_320 : vector<16x1xi32> to vector<16xi32>
      %gather3A_322 = tpu.dynamic_gather %get3A_316[%gather3A_321] in [0] : vector<16xi32>, vector<16xi32> -> vector<16xi32>
      %add3A_323 = arith.addi %gather3A_319, %mul3A_15 : vector<16xi32>
      %swap3A_324 = arith.constant 96 : index
      %swap3A_325 = tpu.vector_load %arg8[%swap3A_324] {strides = array<i32>} : memref<128xi32, #tpu.memory_space<vmem>>, vector<16xi32>,
      %swap3A_326 = vector.shape_cast %swap3A_325 : vector<16xi32> to vector<16xi32>
      %swap3A_327 = vector.shape_cast %add3A_323 : vector<16xi32> to vector<16xi32>
      tpu.vector_store %arg8[%swap3A_324], %swap3A_327 {strides = array<i32>} : memref<128xi32, #tpu.memory_space<vmem>>, vector<16xi32>,
      %add3A_328 = arith.addi %gather3A_322, %mul3A_15 : vector<16xi32>
      %swap3A_329 = arith.constant 112 : index
      %swap3A_330 = tpu.vector_load %arg8[%swap3A_329] {strides = array<i32>} : memref<128xi32, #tpu.memory_space<vmem>>, vector<16xi32>,
      %swap3A_331 = vector.shape_cast %swap3A_330 : vector<16xi32> to vector<16xi32>
      %swap3A_332 = vector.shape_cast %add3A_328 : vector<16xi32> to vector<16xi32>
      tpu.vector_store %arg8[%swap3A_329], %swap3A_332 {strides = array<i32>} : memref<128xi32, #tpu.memory_space<vmem>>, vector<16xi32>,
      %add3A_333 = arith.constant 64 : i32
      %add3A_334 = arith.addi %mul3A_248, %add3A_333 : i32
      %get3A_335 = arith.index_cast %add3A_334 : i32 to index
      %get3A_336 = tpu.vector_load %arg5[%get3A_335] {strides = array<i32>} : memref<25600xi32, #tpu.memory_space<vmem>>, vector<16xi32>,
      %get3A_337 = vector.shape_cast %get3A_336 : vector<16xi32> to vector<16xi32>
      %broadcast_in_dim3A_338 = vector.shape_cast %shift_right_arithmetic3A_4 : vector<16xi32> to vector<16x1xi32>
      %gather3A_339 = vector.shape_cast %broadcast_in_dim3A_338 : vector<16x1xi32> to vector<16xi32>
      %gather3A_340 = tpu.dynamic_gather %get3A_337[%gather3A_339] in [0] : vector<16xi32>, vector<16xi32> -> vector<16xi32>
      %broadcast_in_dim3A_341 = vector.shape_cast %add3A_10 : vector<16xi32> to vector<16x1xi32>
      %gather3A_342 = vector.shape_cast %broadcast_in_dim3A_341 : vector<16x1xi32> to vector<16xi32>
      %gather3A_343 = tpu.dynamic_gather %get3A_337[%gather3A_342] in [0] : vector<16xi32>, vector<16xi32> -> vector<16xi32>
      %add3A_344 = arith.addi %gather3A_340, %mul3A_15 : vector<16xi32>
      %swap3A_345 = arith.constant 0 : index
      %swap3A_346 = tpu.vector_load %arg9[%swap3A_345] {strides = array<i32>} : memref<128xi32, #tpu.memory_space<vmem>>, vector<16xi32>,
      %swap3A_347 = vector.shape_cast %swap3A_346 : vector<16xi32> to vector<16xi32>
      %swap3A_348 = vector.shape_cast %add3A_344 : vector<16xi32> to vector<16xi32>
      tpu.vector_store %arg9[%swap3A_345], %swap3A_348 {strides = array<i32>} : memref<128xi32, #tpu.memory_space<vmem>>, vector<16xi32>,
      %add3A_349 = arith.addi %gather3A_343, %mul3A_15 : vector<16xi32>
      %swap3A_350 = arith.constant 16 : index
      %swap3A_351 = tpu.vector_load %arg9[%swap3A_350] {strides = array<i32>} : memref<128xi32, #tpu.memory_space<vmem>>, vector<16xi32>,
      %swap3A_352 = vector.shape_cast %swap3A_351 : vector<16xi32> to vector<16xi32>
      %swap3A_353 = vector.shape_cast %add3A_349 : vector<16xi32> to vector<16xi32>
      tpu.vector_store %arg9[%swap3A_350], %swap3A_353 {strides = array<i32>} : memref<128xi32, #tpu.memory_space<vmem>>, vector<16xi32>,
      %add3A_354 = arith.constant 80 : i32
      %add3A_355 = arith.addi %mul3A_248, %add3A_354 : i32
      %get3A_356 = arith.index_cast %add3A_355 : i32 to index
      %get3A_357 = tpu.vector_load %arg5[%get3A_356] {strides = array<i32>} : memref<25600xi32, #tpu.memory_space<vmem>>, vector<16xi32>,
      %get3A_358 = vector.shape_cast %get3A_357 : vector<16xi32> to vector<16xi32>
      %broadcast_in_dim3A_359 = vector.shape_cast %shift_right_arithmetic3A_4 : vector<16xi32> to vector<16x1xi32>
      %gather3A_360 = vector.shape_cast %broadcast_in_dim3A_359 : vector<16x1xi32> to vector<16xi32>
      %gather3A_361 = tpu.dynamic_gather %get3A_358[%gather3A_360] in [0] : vector<16xi32>, vector<16xi32> -> vector<16xi32>
      %broadcast_in_dim3A_362 = vector.shape_cast %add3A_10 : vector<16xi32> to vector<16x1xi32>
      %gather3A_363 = vector.shape_cast %broadcast_in_dim3A_362 : vector<16x1xi32> to vector<16xi32>
      %gather3A_364 = tpu.dynamic_gather %get3A_358[%gather3A_363] in [0] : vector<16xi32>, vector<16xi32> -> vector<16xi32>
      %add3A_365 = arith.addi %gather3A_361, %mul3A_15 : vector<16xi32>
      %swap3A_366 = arith.constant 32 : index
      %swap3A_367 = tpu.vector_load %arg9[%swap3A_366] {strides = array<i32>} : memref<128xi32, #tpu.memory_space<vmem>>, vector<16xi32>,
      %swap3A_368 = vector.shape_cast %swap3A_367 : vector<16xi32> to vector<16xi32>
      %swap3A_369 = vector.shape_cast %add3A_365 : vector<16xi32> to vector<16xi32>
      tpu.vector_store %arg9[%swap3A_366], %swap3A_369 {strides = array<i32>} : memref<128xi32, #tpu.memory_space<vmem>>, vector<16xi32>,
      %add3A_370 = arith.addi %gather3A_364, %mul3A_15 : vector<16xi32>
      %swap3A_371 = arith.constant 48 : index
      %swap3A_372 = tpu.vector_load %arg9[%swap3A_371] {strides = array<i32>} : memref<128xi32, #tpu.memory_space<vmem>>, vector<16xi32>,
      %swap3A_373 = vector.shape_cast %swap3A_372 : vector<16xi32> to vector<16xi32>
      %swap3A_374 = vector.shape_cast %add3A_370 : vector<16xi32> to vector<16xi32>
      tpu.vector_store %arg9[%swap3A_371], %swap3A_374 {strides = array<i32>} : memref<128xi32, #tpu.memory_space<vmem>>, vector<16xi32>,
      %add3A_375 = arith.constant 96 : i32
      %add3A_376 = arith.addi %mul3A_248, %add3A_375 : i32
      %get3A_377 = arith.index_cast %add3A_376 : i32 to index
      %get3A_378 = tpu.vector_load %arg5[%get3A_377] {strides = array<i32>} : memref<25600xi32, #tpu.memory_space<vmem>>, vector<16xi32>,
      %get3A_379 = vector.shape_cast %get3A_378 : vector<16xi32> to vector<16xi32>
      %broadcast_in_dim3A_380 = vector.shape_cast %shift_right_arithmetic3A_4 : vector<16xi32> to vector<16x1xi32>
      %gather3A_381 = vector.shape_cast %broadcast_in_dim3A_380 : vector<16x1xi32> to vector<16xi32>
      %gather3A_382 = tpu.dynamic_gather %get3A_379[%gather3A_381] in [0] : vector<16xi32>, vector<16xi32> -> vector<16xi32>
      %broadcast_in_dim3A_383 = vector.shape_cast %add3A_10 : vector<16xi32> to vector<16x1xi32>
      %gather3A_384 = vector.shape_cast %broadcast_in_dim3A_383 : vector<16x1xi32> to vector<16xi32>
      %gather3A_385 = tpu.dynamic_gather %get3A_379[%gather3A_384] in [0] : vector<16xi32>, vector<16xi32> -> vector<16xi32>
      %add3A_386 = arith.addi %gather3A_382, %mul3A_15 : vector<16xi32>
      %swap3A_387 = arith.constant 64 : index
      %swap3A_388 = tpu.vector_load %arg9[%swap3A_387] {strides = array<i32>} : memref<128xi32, #tpu.memory_space<vmem>>, vector<16xi32>,
      %swap3A_389 = vector.shape_cast %swap3A_388 : vector<16xi32> to vector<16xi32>
      %swap3A_390 = vector.shape_cast %add3A_386 : vector<16xi32> to vector<16xi32>
      tpu.vector_store %arg9[%swap3A_387], %swap3A_390 {strides = array<i32>} : memref<128xi32, #tpu.memory_space<vmem>>, vector<16xi32>,
      %add3A_391 = arith.addi %gather3A_385, %mul3A_15 : vector<16xi32>
      %swap3A_392 = arith.constant 80 : index
      %swap3A_393 = tpu.vector_load %arg9[%swap3A_392] {strides = array<i32>} : memref<128xi32, #tpu.memory_space<vmem>>, vector<16xi32>,
      %swap3A_394 = vector.shape_cast %swap3A_393 : vector<16xi32> to vector<16xi32>
      %swap3A_395 = vector.shape_cast %add3A_391 : vector<16xi32> to vector<16xi32>
      tpu.vector_store %arg9[%swap3A_392], %swap3A_395 {strides = array<i32>} : memref<128xi32, #tpu.memory_space<vmem>>, vector<16xi32>,
      %add3A_396 = arith.constant 112 : i32
      %add3A_397 = arith.addi %mul3A_248, %add3A_396 : i32
      %get3A_398 = arith.index_cast %add3A_397 : i32 to index
      %get3A_399 = tpu.vector_load %arg5[%get3A_398] {strides = array<i32>} : memref<25600xi32, #tpu.memory_space<vmem>>, vector<16xi32>,
      %get3A_400 = vector.shape_cast %get3A_399 : vector<16xi32> to vector<16xi32>
      %broadcast_in_dim3A_401 = vector.shape_cast %shift_right_arithmetic3A_4 : vector<16xi32> to vector<16x1xi32>
      %gather3A_402 = vector.shape_cast %broadcast_in_dim3A_401 : vector<16x1xi32> to vector<16xi32>
      %gather3A_403 = tpu.dynamic_gather %get3A_400[%gather3A_402] in [0] : vector<16xi32>, vector<16xi32> -> vector<16xi32>
      %broadcast_in_dim3A_404 = vector.shape_cast %add3A_10 : vector<16xi32> to vector<16x1xi32>
      %gather3A_405 = vector.shape_cast %broadcast_in_dim3A_404 : vector<16x1xi32> to vector<16xi32>
      %gather3A_406 = tpu.dynamic_gather %get3A_400[%gather3A_405] in [0] : vector<16xi32>, vector<16xi32> -> vector<16xi32>
      %add3A_407 = arith.addi %gather3A_403, %mul3A_15 : vector<16xi32>
      %swap3A_408 = arith.constant 96 : index
      %swap3A_409 = tpu.vector_load %arg9[%swap3A_408] {strides = array<i32>} : memref<128xi32, #tpu.memory_space<vmem>>, vector<16xi32>,
      %swap3A_410 = vector.shape_cast %swap3A_409 : vector<16xi32> to vector<16xi32>
      %swap3A_411 = vector.shape_cast %add3A_407 : vector<16xi32> to vector<16xi32>
      tpu.vector_store %arg9[%swap3A_408], %swap3A_411 {strides = array<i32>} : memref<128xi32, #tpu.memory_space<vmem>>, vector<16xi32>,
      %add3A_412 = arith.addi %gather3A_406, %mul3A_15 : vector<16xi32>
      %swap3A_413 = arith.constant 112 : index
      %swap3A_414 = tpu.vector_load %arg9[%swap3A_413] {strides = array<i32>} : memref<128xi32, #tpu.memory_space<vmem>>, vector<16xi32>,
      %swap3A_415 = vector.shape_cast %swap3A_414 : vector<16xi32> to vector<16xi32>
      %swap3A_416 = vector.shape_cast %add3A_412 : vector<16xi32> to vector<16xi32>
      tpu.vector_store %arg9[%swap3A_413], %swap3A_416 {strides = array<i32>} : memref<128xi32, #tpu.memory_space<vmem>>, vector<16xi32>,
      %dma_start3A_417 = arith.constant 1 : i32
      %dma_start3A_418 = arith.constant 0 : i32
      %dma_start3A_419 = arith.constant 0 : i32
      %dma_start3A_420 = tpu.memref_slice %arg10[%dma_start3A_417, %dma_start3A_418, %dma_start3A_419] : memref<2x256x128xf32, #tpu.memory_space<vmem>> -> memref<1x128x128xf32, #tpu.memory_space<vmem>>
      %dma_start3A_421 = tpu.memref_squeeze %dma_start3A_420 : memref<1x128x128xf32, #tpu.memory_space<vmem>> -> memref<128x128xf32, #tpu.memory_space<vmem>>
      %dma_start3A_422 = arith.constant 0 : i32
      %dma_start3A_423 = arith.constant 0 : i32
      %dma_start3A_424 = tpu.memref_slice %arg2[%dma_start3A_422, %dma_start3A_423] : memref<200000x128xf32, #tpu.memory_space<hbm>> -> memref<200000x128xf32, #tpu.memory_space<hbm>>
      tpu.enqueue_indirect_dma source(%dma_start3A_424 : memref<200000x128xf32, #tpu.memory_space<hbm>>) target(%dma_start3A_421 : memref<128x128xf32, #tpu.memory_space<vmem>>) offsets(%arg8 : memref<128xi32, #tpu.memory_space<vmem>>) semaphore(%arg11 : memref<!tpu.dma_semaphore, #tpu.memory_space<semaphore_mem>>)
      %dma_start3A_425 = arith.constant 1 : i32
      %dma_start3A_426 = arith.constant 128 : i32
      %dma_start3A_427 = arith.constant 0 : i32
      %dma_start3A_428 = tpu.memref_slice %arg10[%dma_start3A_425, %dma_start3A_426, %dma_start3A_427] : memref<2x256x128xf32, #tpu.memory_space<vmem>> -> memref<1x128x128xf32, #tpu.memory_space<vmem>>
      %dma_start3A_429 = tpu.memref_squeeze %dma_start3A_428 : memref<1x128x128xf32, #tpu.memory_space<vmem>> -> memref<128x128xf32, #tpu.memory_space<vmem>>
      %dma_start3A_430 = arith.constant 0 : i32
      %dma_start3A_431 = arith.constant 0 : i32
      %dma_start3A_432 = tpu.memref_slice %arg2[%dma_start3A_430, %dma_start3A_431] : memref<200000x128xf32, #tpu.memory_space<hbm>> -> memref<200000x128xf32, #tpu.memory_space<hbm>>
      tpu.enqueue_indirect_dma source(%dma_start3A_432 : memref<200000x128xf32, #tpu.memory_space<hbm>>) target(%dma_start3A_429 : memref<128x128xf32, #tpu.memory_space<vmem>>) offsets(%arg9 : memref<128xi32, #tpu.memory_space<vmem>>) semaphore(%arg11 : memref<!tpu.dma_semaphore, #tpu.memory_space<semaphore_mem>>)
      %mul3A_433 = arith.constant 2 : i32
      %mul3A_434 = arith.muli %scan3A_50, %mul3A_433 : i32
      %add3A_435 = arith.constant 0 : i32
      %add3A_436 = arith.addi %mul3A_434, %add3A_435 : i32
      %mul3A_437 = arith.constant 128 : i32
      %mul3A_438 = arith.muli %add3A_436, %mul3A_437 : i32
      %add3A_439 = arith.addi %mul3A_2, %mul3A_438 : i32
      %dma_wait3A_440 = arith.constant 0 : i32
      %dma_wait3A_441 = arith.constant 0 : i32
      %dma_wait3A_442 = arith.constant 0 : i32
      %dma_wait3A_443 = tpu.memref_slice %arg10[%dma_wait3A_440, %dma_wait3A_441, %dma_wait3A_442] : memref<2x256x128xf32, #tpu.memory_space<vmem>> -> memref<1x128x128xf32, #tpu.memory_space<vmem>>
      %dma_wait3A_444 = tpu.memref_squeeze %dma_wait3A_443 : memref<1x128x128xf32, #tpu.memory_space<vmem>> -> memref<128x128xf32, #tpu.memory_space<vmem>>
      %dma_wait3A_445 = arith.constant 0 : i32
      %dma_wait3A_446 = arith.constant 0 : i32
      %dma_wait3A_447 = tpu.memref_slice %arg2[%dma_wait3A_445, %dma_wait3A_446] : memref<200000x128xf32, #tpu.memory_space<hbm>> -> memref<200000x128xf32, #tpu.memory_space<hbm>>
      tpu.wait_indirect_dma semaphore(%arg11 : memref<!tpu.dma_semaphore, #tpu.memory_space<semaphore_mem>>) src(%dma_wait3A_447 : memref<200000x128xf32, #tpu.memory_space<hbm>>) dst(%dma_wait3A_444 : memref<128x128xf32, #tpu.memory_space<vmem>>)
      %dma_wait3A_448 = arith.constant 0 : i32
      %dma_wait3A_449 = arith.constant 128 : i32
      %dma_wait3A_450 = arith.constant 0 : i32
      %dma_wait3A_451 = tpu.memref_slice %arg10[%dma_wait3A_448, %dma_wait3A_449, %dma_wait3A_450] : memref<2x256x128xf32, #tpu.memory_space<vmem>> -> memref<1x128x128xf32, #tpu.memory_space<vmem>>
      %dma_wait3A_452 = tpu.memref_squeeze %dma_wait3A_451 : memref<1x128x128xf32, #tpu.memory_space<vmem>> -> memref<128x128xf32, #tpu.memory_space<vmem>>
      %dma_wait3A_453 = arith.constant 0 : i32
      %dma_wait3A_454 = arith.constant 0 : i32
      %dma_wait3A_455 = tpu.memref_slice %arg2[%dma_wait3A_453, %dma_wait3A_454] : memref<200000x128xf32, #tpu.memory_space<hbm>> -> memref<200000x128xf32, #tpu.memory_space<hbm>>
      tpu.wait_indirect_dma semaphore(%arg11 : memref<!tpu.dma_semaphore, #tpu.memory_space<semaphore_mem>>) src(%dma_wait3A_455 : memref<200000x128xf32, #tpu.memory_space<hbm>>) dst(%dma_wait3A_452 : memref<128x128xf32, #tpu.memory_space<vmem>>)
      %mul3A_456 = arith.constant 2 : i32
      %mul3A_457 = arith.muli %mul3A_456, %add3A_439 : i32
      %dma_start3A_458 = arith.constant 0 : i32
      %dma_start3A_459 = arith.constant 0 : i32
      %dma_start3A_460 = arith.constant 0 : i32
      %dma_start3A_461 = tpu.memref_slice %arg10[%dma_start3A_458, %dma_start3A_459, %dma_start3A_460] : memref<2x256x128xf32, #tpu.memory_space<vmem>> -> memref<1x256x128xf32, #tpu.memory_space<vmem>>
      %dma_start3A_462 = tpu.memref_squeeze %dma_start3A_461 : memref<1x256x128xf32, #tpu.memory_space<vmem>> -> memref<256x128xf32, #tpu.memory_space<vmem>>
      %dma_start3A_463 = arith.constant 0 : i32
      %dma_start3A_464 = tpu.memref_slice %arg4[%mul3A_457, %dma_start3A_463] : memref<1638400x128xf32, #tpu.memory_space<hbm>> -> memref<256x128xf32, #tpu.memory_space<hbm>>
      %dma_start3A_465 = arith.constant 0 : i32
      %dma_start3A_466 = tpu.memref_slice %arg4[%mul3A_457, %dma_start3A_465] : memref<1638400x128xf32, #tpu.memory_space<hbm>> -> memref<256x128xf32, #tpu.memory_space<hbm>>
      %dma_start3A_467 = arith.constant 0 : i32
      %dma_start3A_468 = arith.constant 0 : i32
      %dma_start3A_469 = tpu.memref_slice %arg10[%dma_start3A_458, %dma_start3A_467, %dma_start3A_468] : memref<2x256x128xf32, #tpu.memory_space<vmem>> -> memref<1x256x128xf32, #tpu.memory_space<vmem>>
      %dma_start3A_470 = tpu.memref_squeeze %dma_start3A_469 : memref<1x256x128xf32, #tpu.memory_space<vmem>> -> memref<256x128xf32, #tpu.memory_space<vmem>>
      tpu.enqueue_dma source(%dma_start3A_470 : memref<256x128xf32, #tpu.memory_space<vmem>>) target(%dma_start3A_466 : memref<256x128xf32, #tpu.memory_space<hbm>>) target_semaphore(%arg12 : memref<!tpu.dma_semaphore, #tpu.memory_space<semaphore_mem>>)
      %mul3A_471 = arith.constant 2 : i32
      %mul3A_472 = arith.muli %scan3A_50, %mul3A_471 : i32
      %add3A_473 = arith.constant 1 : i32
      %add3A_474 = arith.addi %mul3A_472, %add3A_473 : i32
      %mul3A_475 = arith.constant 128 : i32
      %mul3A_476 = arith.muli %add3A_474, %mul3A_475 : i32
      %add3A_477 = arith.addi %mul3A_2, %mul3A_476 : i32
      %dma_wait3A_478 = arith.constant 1 : i32
      %dma_wait3A_479 = arith.constant 0 : i32
      %dma_wait3A_480 = arith.constant 0 : i32
      %dma_wait3A_481 = tpu.memref_slice %arg10[%dma_wait3A_478, %dma_wait3A_479, %dma_wait3A_480] : memref<2x256x128xf32, #tpu.memory_space<vmem>> -> memref<1x128x128xf32, #tpu.memory_space<vmem>>
      %dma_wait3A_482 = tpu.memref_squeeze %dma_wait3A_481 : memref<1x128x128xf32, #tpu.memory_space<vmem>> -> memref<128x128xf32, #tpu.memory_space<vmem>>
      %dma_wait3A_483 = arith.constant 0 : i32
      %dma_wait3A_484 = arith.constant 0 : i32
      %dma_wait3A_485 = tpu.memref_slice %arg2[%dma_wait3A_483, %dma_wait3A_484] : memref<200000x128xf32, #tpu.memory_space<hbm>> -> memref<200000x128xf32, #tpu.memory_space<hbm>>
      tpu.wait_indirect_dma semaphore(%arg11 : memref<!tpu.dma_semaphore, #tpu.memory_space<semaphore_mem>>) src(%dma_wait3A_485 : memref<200000x128xf32, #tpu.memory_space<hbm>>) dst(%dma_wait3A_482 : memref<128x128xf32, #tpu.memory_space<vmem>>)
      %dma_wait3A_486 = arith.constant 1 : i32
      %dma_wait3A_487 = arith.constant 128 : i32
      %dma_wait3A_488 = arith.constant 0 : i32
      %dma_wait3A_489 = tpu.memref_slice %arg10[%dma_wait3A_486, %dma_wait3A_487, %dma_wait3A_488] : memref<2x256x128xf32, #tpu.memory_space<vmem>> -> memref<1x128x128xf32, #tpu.memory_space<vmem>>
      %dma_wait3A_490 = tpu.memref_squeeze %dma_wait3A_489 : memref<1x128x128xf32, #tpu.memory_space<vmem>> -> memref<128x128xf32, #tpu.memory_space<vmem>>
      %dma_wait3A_491 = arith.constant 0 : i32
      %dma_wait3A_492 = arith.constant 0 : i32
      %dma_wait3A_493 = tpu.memref_slice %arg2[%dma_wait3A_491, %dma_wait3A_492] : memref<200000x128xf32, #tpu.memory_space<hbm>> -> memref<200000x128xf32, #tpu.memory_space<hbm>>
      tpu.wait_indirect_dma semaphore(%arg11 : memref<!tpu.dma_semaphore, #tpu.memory_space<semaphore_mem>>) src(%dma_wait3A_493 : memref<200000x128xf32, #tpu.memory_space<hbm>>) dst(%dma_wait3A_490 : memref<128x128xf32, #tpu.memory_space<vmem>>)
      %mul3A_494 = arith.constant 2 : i32
      %mul3A_495 = arith.muli %mul3A_494, %add3A_477 : i32
      %dma_start3A_496 = arith.constant 1 : i32
      %dma_start3A_497 = arith.constant 0 : i32
      %dma_start3A_498 = arith.constant 0 : i32
      %dma_start3A_499 = tpu.memref_slice %arg10[%dma_start3A_496, %dma_start3A_497, %dma_start3A_498] : memref<2x256x128xf32, #tpu.memory_space<vmem>> -> memref<1x256x128xf32, #tpu.memory_space<vmem>>
      %dma_start3A_500 = tpu.memref_squeeze %dma_start3A_499 : memref<1x256x128xf32, #tpu.memory_space<vmem>> -> memref<256x128xf32, #tpu.memory_space<vmem>>
      %dma_start3A_501 = arith.constant 0 : i32
      %dma_start3A_502 = tpu.memref_slice %arg4[%mul3A_495, %dma_start3A_501] : memref<1638400x128xf32, #tpu.memory_space<hbm>> -> memref<256x128xf32, #tpu.memory_space<hbm>>
      %dma_start3A_503 = arith.constant 0 : i32
      %dma_start3A_504 = tpu.memref_slice %arg4[%mul3A_495, %dma_start3A_503] : memref<1638400x128xf32, #tpu.memory_space<hbm>> -> memref<256x128xf32, #tpu.memory_space<hbm>>
      %dma_start3A_505 = arith.constant 0 : i32
      %dma_start3A_506 = arith.constant 0 : i32
      %dma_start3A_507 = tpu.memref_slice %arg10[%dma_start3A_496, %dma_start3A_505, %dma_start3A_506] : memref<2x256x128xf32, #tpu.memory_space<vmem>> -> memref<1x256x128xf32, #tpu.memory_space<vmem>>
      %dma_start3A_508 = tpu.memref_squeeze %dma_start3A_507 : memref<1x256x128xf32, #tpu.memory_space<vmem>> -> memref<256x128xf32, #tpu.memory_space<vmem>>
      tpu.enqueue_dma source(%dma_start3A_508 : memref<256x128xf32, #tpu.memory_space<vmem>>) target(%dma_start3A_504 : memref<256x128xf32, #tpu.memory_space<hbm>>) target_semaphore(%arg12 : memref<!tpu.dma_semaphore, #tpu.memory_space<semaphore_mem>>)
    }
    %scan3A_20 = arith.constant 100 : i32
    %dma_wait3A = arith.constant 0 : i32
    %dma_wait3A_21 = arith.constant 0 : i32
    %dma_wait3A_22 = arith.constant 0 : i32
    %dma_wait3A_23 = tpu.memref_slice %arg10[%dma_wait3A, %dma_wait3A_21, %dma_wait3A_22] : memref<2x256x128xf32, #tpu.memory_space<vmem>> -> memref<1x256x128xf32, #tpu.memory_space<vmem>>
    %dma_wait3A_24 = tpu.memref_squeeze %dma_wait3A_23 : memref<1x256x128xf32, #tpu.memory_space<vmem>> -> memref<256x128xf32, #tpu.memory_space<vmem>>
    %dma_wait3A_25 = arith.constant 0 : i32
    %dma_wait3A_26 = arith.constant 0 : i32
    %dma_wait3A_27 = tpu.memref_slice %arg4[%dma_wait3A_25, %dma_wait3A_26] : memref<1638400x128xf32, #tpu.memory_space<hbm>> -> memref<256x128xf32, #tpu.memory_space<hbm>>
    %dma_wait3A_28 = arith.constant 0 : i32
    %dma_wait3A_29 = arith.constant 0 : i32
    %dma_wait3A_30 = tpu.memref_slice %arg4[%dma_wait3A_28, %dma_wait3A_29] : memref<1638400x128xf32, #tpu.memory_space<hbm>> -> memref<256x128xf32, #tpu.memory_space<hbm>>
    %dma_wait3A_31 = arith.constant 0 : i32
    %dma_wait3A_32 = arith.constant 0 : i32
    %dma_wait3A_33 = tpu.memref_slice %arg10[%dma_wait3A, %dma_wait3A_31, %dma_wait3A_32] : memref<2x256x128xf32, #tpu.memory_space<vmem>> -> memref<1x256x128xf32, #tpu.memory_space<vmem>>
    %dma_wait3A_34 = tpu.memref_squeeze %dma_wait3A_33 : memref<1x256x128xf32, #tpu.memory_space<vmem>> -> memref<256x128xf32, #tpu.memory_space<vmem>>
    tpu.wait_dma2 semaphore(%arg12 : memref<!tpu.dma_semaphore, #tpu.memory_space<semaphore_mem>>) src(%dma_wait3A_34 : memref<256x128xf32, #tpu.memory_space<vmem>>) dst(%dma_wait3A_30 : memref<256x128xf32, #tpu.memory_space<hbm>>)
    %dma_wait3A_35 = arith.constant 1 : i32
    %dma_wait3A_36 = arith.constant 0 : i32
    %dma_wait3A_37 = arith.constant 0 : i32
    %dma_wait3A_38 = tpu.memref_slice %arg10[%dma_wait3A_35, %dma_wait3A_36, %dma_wait3A_37] : memref<2x256x128xf32, #tpu.memory_space<vmem>> -> memref<1x256x128xf32, #tpu.memory_space<vmem>>
    %dma_wait3A_39 = tpu.memref_squeeze %dma_wait3A_38 : memref<1x256x128xf32, #tpu.memory_space<vmem>> -> memref<256x128xf32, #tpu.memory_space<vmem>>
    %dma_wait3A_40 = arith.constant 0 : i32
    %dma_wait3A_41 = arith.constant 0 : i32
    %dma_wait3A_42 = tpu.memref_slice %arg4[%dma_wait3A_40, %dma_wait3A_41] : memref<1638400x128xf32, #tpu.memory_space<hbm>> -> memref<256x128xf32, #tpu.memory_space<hbm>>
    %dma_wait3A_43 = arith.constant 0 : i32
    %dma_wait3A_44 = arith.constant 0 : i32
    %dma_wait3A_45 = tpu.memref_slice %arg4[%dma_wait3A_43, %dma_wait3A_44] : memref<1638400x128xf32, #tpu.memory_space<hbm>> -> memref<256x128xf32, #tpu.memory_space<hbm>>
    %dma_wait3A_46 = arith.constant 0 : i32
    %dma_wait3A_47 = arith.constant 0 : i32
    %dma_wait3A_48 = tpu.memref_slice %arg10[%dma_wait3A_35, %dma_wait3A_46, %dma_wait3A_47] : memref<2x256x128xf32, #tpu.memory_space<vmem>> -> memref<1x256x128xf32, #tpu.memory_space<vmem>>
    %dma_wait3A_49 = tpu.memref_squeeze %dma_wait3A_48 : memref<1x256x128xf32, #tpu.memory_space<vmem>> -> memref<256x128xf32, #tpu.memory_space<vmem>>
    tpu.wait_dma2 semaphore(%arg12 : memref<!tpu.dma_semaphore, #tpu.memory_space<semaphore_mem>>) src(%dma_wait3A_49 : memref<256x128xf32, #tpu.memory_space<vmem>>) dst(%dma_wait3A_45 : memref<256x128xf32, #tpu.memory_space<hbm>>)
    return
  }
}

</mosaic_0001>

<sc_bundles>
// kernel: kernel.3.cloned.1.call-start
scs
__scs_entry_jumppad:
0x0: {  	(pc) =	sbr.rel $0x88, $3  }
0x1: {  	(tag) =	ssettag $0x0;
	lr =	simm.s32 $0x1  }
0x2: {  	[smem:$0x3F9E] =	sst lr;
	_ =	strace $0xD0000000  }
0x3: {  	_ = 	snop  }
0x4: {  	_ = 	snop  }
0x5: {  	_ = 	snop  }
0x6: {  	_ = 	snop  }
0x7: {  	_ = 	snop  }
__scs_overlays_trampoline_lowered:
0x8: {  	[smem:$0x3FAD] =	sst s0  }
0x9: {  	[smem:$0x3FAE] =	sst s1  }
0xa: {  	[smem:$0x3FAF] =	sst s2  }
0xb: {  	[smem:$0x3FB0] =	sst s3  }
0xc: {  	[smem:$0x3FB1] =	sst s4  }
0xd: {  	[smem:$0x3FB2] =	sst s5  }
0xe: {  	[smem:$0x3FB3] =	sst s6  }
0xf: {  	[smem:$0x3FB4] =	sst s7  }
0x10: {  	[smem:$0x3FB5] =	sst s8  }
0x11: {  	[smem:$0x3FB6] =	sst s9;
	s0 =	simm.s32 @!p0 $0x0  }
0x12: {  	s1 =	sld [smem:$0x3F9C];
	s0 =	simm.s32 @p0 $0x1  }
0x13: {  	[smem:$0x3FB7] =	sst s0;
	s0 =	simm.s32 @!p1 $0x0  }
0x14: {  	s2 =	sld [smem:$0x3F9B];
	s0 =	simm.s32 @p1 $0x1  }
0x15: {  	[smem:$0x3FB8] =	sst s0;
	s0 =	simm.s32 @!p2 $0x0  }
0x16: {  	s3 =	sld [smem:$0x3FDB];
	s0 =	simm.s32 @p2 $0x1  }
0x17: {  	s4 =	simm.s32 $0x1BF5;
	[smem:$0x3FBA] =	sst s0  }
0x18: {  	s0 =	sld [smem:$0x3F9D];
	_ =	swait.ge [sflag:s4], $0x0  }
0x19: {  	s7 =	sld [smem:$0x3F9E]  }
0x1a: {  	s8 =	sadd.s32 $0xFFFFE003, lr  }
0x1b: {  	s9 =	sadd.s32 $0xFFFFFEF7, lr;
	s5 =	simm.s32 $0xFFFFFFFF;
	p2 =	slt.u32 s8, $0xFFFFF086  }
0x1c: {  	p1 =	slt.u32 s9, $0xF7A;
	s5 =	simm.s32 @!p2 $0x0  }
0x1d: {  	s5 =	simm.s32 @p1 $0x1;
	p0 =	seq.s32 s7, s2  }
0x1e: {  	s7 =	smul.u32 @!p0 $0xF7A, s2;
	p2 =	seq.s32 @!p0 s5, $0x0  }
0x1f: {  	s9 =	smul.u32 $0xF7A, s1;
	s8 =	simm.s32 @!p0 $0x1BF5;
	p2 =	por !p2, p0  }
0x20: {  	[sflag:s8] =	ssyncset.s32 @!p0 $0xFFFFF086;
	s6 =	sadd.s32 @!p0 s3, s7;
	s7 =	simm.s32 @!p0 $0x108  }
0x21: {  	s3 =	sadd.s32 s3, s9;
	s6 =	sadd.s32 @!p0 $0x88, s6;
	s7 =	simm.s32 @p2 $0x1082  }
0x22: {  	[simem:s7], [sflag:s8] =	dma.local @!p0 [hbm:s6], $0xF7A  }
0x23: {  	s9 =	sor.u32 $0xD0000000, s2;
	s6 =	simm.s32 $0x108;
	_ =	swait.ge @!p0 [sflag:s8], $0x0  }
0x24: {  	s3 =	sadd.s32 $0x88, s3;
	s6 =	simm.s32 @!p1 $0x1082;
	[sflag:s4] =	ssyncset.s32 $0xFFFFF086  }
0x25: {  	[simem:s6], [sflag:s4] =	dma.local [hbm:s3], $0xF7A  }
0x26: {  	[smem:$0x3F9E] =	sst s1;
	(tag) =	ssettag s2;
	_ =	strace s9  }
0x27: {  	s1 =	sld [smem:$0x3FAE]  }
0x28: {  	s2 =	sld [smem:$0x3FAF]  }
0x29: {  	s4 =	sld [smem:$0x3FB1]  }
0x2a: {  	p0 =	seq.s32 s5, $0x0;
	s5 =	sld [smem:$0x3FB2]  }
0x2b: {  	s6 =	sld [smem:$0x3FB3]  }
0x2c: {  	s7 =	sld [smem:$0x3FB4]  }
0x2d: {  	s3 =	simm.s32 $0x108;
	s8 =	sld [smem:$0x3FB5]  }
0x2e: {  	s3 =	simm.s32 @!p0 $0x1082;
	s9 =	sld [smem:$0x3FB6]  }
0x2f: {  	lr =	sadd.s32 s0, s3;
	s0 =	sld [smem:$0x3FAD]  }
0x30: {  	s3 =	sld [smem:$0x3FB0]  }
0x31: {  	[smem:$0x3FB9] =	sst s10  }
0x32: {  	s10 =	sld [smem:$0x3FB7];
	_ =	sdelay $0x3  }
0x33: {  	p0 =	seq.s32 s10, $0x1;
	s10 =	sld [smem:$0x3FB9];
	_ =	sdelay $0x3  }
0x34: {  	[smem:$0x3FB9] =	sst s10  }
0x35: {  	s10 =	sld [smem:$0x3FB8];
	_ =	sdelay $0x3  }
0x36: {  	p1 =	seq.s32 s10, $0x1;
	s10 =	sld [smem:$0x3FB9];
	_ =	sdelay $0x3  }
0x37: {  	[smem:$0x3FB9] =	sst s10  }
0x38: {  	s10 =	sld [smem:$0x3FBA]  }
0x39: {  	_ = 	snop;
	(pc) =	sbr.ind lr, $3  }
0x3a: {  	_ = 	snop  }
0x3b: {  	_ = 	snop  }
0x3c: {  	p2 =	seq.s32 s10, $0x1;
	s10 =	sld [smem:$0x3FB9]  }
0x3d: {  	_ =	shalt  }
0x3e: {  	_ =	shalt  }
0x3f: {  	_ =	shalt  }
0x40: {  	_ =	shalt  }
0x41: {  	_ =	shalt  }
0x42: {  	_ =	shalt  }
0x43: {  	_ =	shalt  }
0x44: {  	_ =	shalt  }
0x45: {  	_ =	shalt  }
0x46: {  	_ =	shalt  }
0x47: {  	_ =	shalt  }
0x48: {  	_ =	shalt  }
0x49: {  	_ =	shalt  }
0x4a: {  	_ =	shalt  }
0x4b: {  	_ =	shalt  }
0x4c: {  	_ =	shalt  }
0x4d: {  	_ =	shalt  }
0x4e: {  	_ =	shalt  }
0x4f: {  	_ =	shalt  }
0x50: {  	_ =	shalt  }
0x51: {  	_ =	shalt  }
0x52: {  	_ =	shalt  }
0x53: {  	_ =	shalt  }
0x54: {  	_ =	shalt  }
0x55: {  	_ =	shalt  }
0x56: {  	_ =	shalt  }
0x57: {  	_ =	shalt  }
0x58: {  	_ =	shalt  }
0x59: {  	_ =	shalt  }
0x5a: {  	_ =	shalt  }
0x5b: {  	_ =	shalt  }
0x5c: {  	_ =	shalt  }
0x5d: {  	_ =	shalt  }
0x5e: {  	_ =	shalt  }
0x5f: {  	_ =	shalt  }
0x60: {  	_ =	shalt  }
0x61: {  	_ =	shalt  }
0x62: {  	_ =	shalt  }
0x63: {  	_ =	shalt  }
0x64: {  	_ =	shalt  }
0x65: {  	_ =	shalt  }
0x66: {  	_ =	shalt  }
0x67: {  	_ =	shalt  }
0x68: {  	_ =	shalt  }
0x69: {  	_ =	shalt  }
0x6a: {  	_ =	shalt  }
0x6b: {  	_ =	shalt  }
0x6c: {  	_ =	shalt  }
0x6d: {  	_ =	shalt  }
0x6e: {  	_ =	shalt  }
0x6f: {  	_ =	shalt  }
0x70: {  	_ =	shalt  }
0x71: {  	_ =	shalt  }
0x72: {  	_ =	shalt  }
0x73: {  	_ =	shalt  }
0x74: {  	_ =	shalt  }
0x75: {  	_ =	shalt  }
0x76: {  	_ =	shalt  }
0x77: {  	_ =	shalt  }
0x78: {  	_ =	shalt  }
0x79: {  	_ =	shalt  }
0x7a: {  	_ =	shalt  }
0x7b: {  	_ =	shalt  }
0x7c: {  	_ =	shalt  }
0x7d: {  	_ =	shalt  }
0x7e: {  	_ =	shalt  }
0x7f: {  	_ =	shalt  }
0x80: {  	_ =	shalt  }
0x81: {  	_ =	shalt  }
0x82: {  	_ =	shalt  }
0x83: {  	_ =	shalt  }
0x84: {  	_ =	shalt  }
0x85: {  	_ =	shalt  }
0x86: {  	_ =	shalt  }
0x87: {  	_ =	shalt  }
.Lfunc_end0:
.L_simem_size_0:
called_computation_lowered:
.L_overlay_start_0:
0x88: {  	s2 =	sld [smem:$0x3FD9]  }
0x89: {  	s3 =	sld [smem:$0x3FFE];
	_ =	sdelay $0x1  }
0x8a: {  	s1 =	srdreg.scid  }
0x8b: {  	s0 =	sand.u32 $0x1, s1  }
0x8c: {  	s17 =	sshll.u32 s0, $0xA;
	s2 =	sadd.s32 s3, s2  }
0x8d: {  	s2 =	sadd.s32 s2, s17  }
0x8e: {  	[smem:$0x3FC5] =	sst s2  }
0x8f: {  	_ = 	snop  }
0x90: {  	s2 =	sld [smem:$0x3FD0];
	(tm) =	ssettm $0x1  }
0x91: {  	s18 =	sld [smem:$0x3FFB];
	_ =	sdelay $0x3  }
0x92: {  	_ =	strace s18  }
0x93: {  	s3 =	sld [smem:$0x3FFC];
	_ =	sdelay $0x3  }
0x94: {  	_ =	strace s3  }
0x95: {  	s3 =	sld [smem:$0x3FFD];
	_ =	sdelay $0x3  }
0x96: {  	_ =	strace s3  }
0x97: {  	_ =	strace $0x8FFFFFFF  }
0x98: {  	s19 =	sld [smem:$0x3FDB];
	_ =	sdelay $0x1  }
0x99: {  	s4 =	simm.s32 $_scs_section_size  }
0x9a: {  	s5 =	simm.s32 $_size__tile_overlayer_lowered;
	s6 =	simm.s32 $_tile_overlayer_lowered  }
0x9b: {  	s22 =	simm.s32 $0x1BFF;
	s21 =	sshll.u32 s6, $0x1;
	s3 =	sadd.s32 s4, s19  }
0x9c: {  	s7 =	simm.s32 $0x0;
	s20 =	sshll.u32 s5, $0x1;
	s5 =	sadd.s32 s21, s3  }
0x9d: {  	[timem:s7], [sflag:s22] =	dma.local [hbm:s5], s20  }
0x9e: {  	_ =	swait.ge [sflag:s22], s20  }
0x9f: {  	s4 =	ssub.s32 $0x0, s20;
	[sflag:s22] =	ssyncset.done $0x0  }
0xa0: {  	[sflag:s22] =	ssyncadd.s32 s4;
	_ =	sdelay $0x1  }
0xa1: {  	s23 =	simm.s32 $0x1B8B  }
0xa2: {  	_ =	swait.ge [sflag:s23], $0x1  }
0xa3: {  	[sflag:s23] =	ssyncset.done $0x0  }
0xa4: {  	s25 =	simm.s32 $0x1B8E;
	s24 =	sld [smem:$0x3FFE];
	[sflag:s23] =	ssyncadd.s32 $0xFFFFFFFF  }
0xa5: {  	s26 =	simm.s32 $execute0_lowered;
	[smem:$0x3FD2] =	sst s25  }
0xa6: {  	s5 =	sshll.u32 s26, $0x1;
	_ =	strace $0x80000046;
	[dreg:$0x1] =	wrdreg $0xFFFFFFFF  }
0xa7: {  	s28 =	simm.s32 $_size_execute0_lowered;
	s3 =	sadd.s32 s3, s5;
	[dreg:$0x0] =	wrdreg $0x0  }
0xa8: {  	s5 =	sshll.u32 s28, $0x1;
	[dreg:$0x2] =	wrdreg s3  }
0xa9: {  	[dreg:$0x3] =	wrdreg s5  }
0xaa: {  	[dreg:$0x4] =	wrdreg $0xC0  }
0xab: {  	_ =	task [dreg:s7], $0x5FFFF  }
0xac: {  	[dreg:$0x1] =	wrdreg $0xFFFFFFFF  }
0xad: {  	[dreg:$0x0] =	wrdreg $0x60  }
0xae: {  	[dreg:$0x2] =	wrdreg s24  }
0xaf: {  	[dreg:$0x3] =	wrdreg s2  }
0xb0: {  	[dreg:$0x4] =	wrdreg $0x9  }
0xb1: {  	_ =	task.clear_ibuf [dreg:s7], $0x5FFFF;
	_ =	strace $0x90000046  }
0xb2: {  	s29 =	simm.s32 $0x9;
	_ =	strace $0x80000048  }
0xb3: {  	_ =	swait.ge [sflag:s29], $0x1  }
0xb4: {  	[sflag:s29] =	ssyncadd.s32 $0xFFFFFFFF  }
0xb5: {  	_ =	strace $0x90000048  }
0xb6: {  	_ =	sfence  }
0xb7: {  	s30 =	sld [smem:$0x0];
	_ =	sdelay $0x2  }
0xb8: {  	s31 =	sshll.u32 s1, $0xD;
	s1 =	sshrl.u32 s1, $0x2  }
0xb9: {  	s3 =	sand.u32 $0x4000, s31;
	s1 =	sadd.s32 s1, s30  }
0xba: {  	s0 =	sor.u32 s3, s0;
	s1 =	sshll.u32 s1, $0x11  }
0xbb: {  	s0 =	sor.u32 s1, s0  }
0xbc: {  	s0 =	sadd.s32 $0x8F2B, s0  }
0xbd: {  	[sflag:s0] =	ssyncadd.remote.s32 $0x1  }
0xbe: {  	_ =	sfence.sel $0xFFFF  }
0xbf: {  	[dreg:$0x0] =	wrdreg $0xFFFFFFFF;
	(pc) =	sbr.abs _section_cstart, $3  }
0xc0: {  	[dreg:$0x1] =	wrdreg $0xFFFFFFFF  }
0xc1: {  	_ =	task.clear_ibuf [dreg:s7], $0x2FFFF;
	_ =	strace $0x9FFFFFFF  }
0xc2: {  	(tm) =	ssettm $0x7FFFFFFF  }
0xc3: {  	_ =	shalt  }
tec
execute0_lowered:
.L_overlay_start_1:
0x0: {  	(tag) =	ssettag $0x1  }
0x1: {  	s4 =	rddreg [dreg:$0x0];
	s1 =	srdreg.scid  }
0x2: {  	s0 =	stileid.u32;
	s6 =	rddreg [dreg:$0x1]  }
0x3: {  	s2 =	simm.s32 $0x0;
	s11 =	simm.s32 $0x6600;
	s12 =	simm.s32 $0x6480  }
0x4: {  	s13 =	simm.s32 $0xA600;
	s14 =	simm.s32 $0x6500;
	s15 =	simm.s32 $0xE600  }
0x5: {  	s16 =	simm.s32 $0x6580;
	s17 =	simm.s32 $0x12600;
	s18 =	simm.s32 $0x1  }
0x6: {  	s19 =	simm.s32 $0x2;
	s20 =	simm.s32 $0x0;
	s7 =	smul.u32 $0xC800, s0  }
0x7: {  	s5 =	sand.u32 $0x1, s1;
	s1 =	rddreg [dreg:$0x2];
	s29 =	smul.u32 $0x190000, s0  }
0x8: {  	s3 =	sshll.u32 s0, $0x1;
	[smem:$0x7FF] =	sst s2;
	s10 =	smul.u32 $0x6400, s5  }
0x9: {  	s3 =	sor.u32 s5, s3;
	s9 =	ssub.s32 $0x2, s5;
	s30 =	smul.u32 $0xC8000, s5  }
0xa: {  	_ =	strace $0x80000047;
	s3 =	smul.u32 $0x6400, s3;
	s28 =	sshrl.u32 s9, $0x1  }
0xb: {  	s31 =	sadd.s32 s29, s6;
	s7 =	sadd.s32 s10, s7;
	s10 =	simm.s32 $0x6400  }
0xc: {  	s8 =	sshrl.u32 s3, $0x3;
	s3 =	sadd.s32 $0x19400, s4;
	s7 =	sshll.u32 s7, $0x5  }
0xd: {  	v1 =	vlaneseq.u32;
	s4 =	sadd.s32 s8, s4;
	s8 =	ssub.s32 s9, s28;
	s7 =	sadd.s32 s7, s6  }
0xe: {  	v0 =	vshrl.u32 v1, $0x1;
	v2 =	vand.u32 $0x1, v1;
	s9 =	simm.s32 $0x80;
	s4 =	sadd.s32 $0x400, s4;
	s5 =	smax.u32 s8, $0x1  }
0xf: {  	v1 =	vor.u32 $0x8, v0;
	v2 =	vmul.u32 $0x186A0, v2;
	s6 =	sadd.s32 $0x1000, s7;
	s7 =	sadd.s32 s30, s31;
	s8 =	simm.s32 $0x3  }
.LBB2_1:
0x10: {  	[tilespmem:s2], [sflag:$0x3] =	stream.linear.gather [hbm4b:s4+s2], $0x6400, $0x38;
	[tilespmem:$0x16600] =	vst v63  }
0x11: {  	_ =	swait.ge [sflag:s8], $0x6400  }
0x12: {  	p0 =	por $0x1, $0x1;
	[sflag:s8] =	ssyncset.done $0x0  }
0x13: {  	s21 =	simm.s32 @!p0 $0x2;
	[sflag:s8] =	ssyncadd.s32 $0xFFFF9C00  }
0x14: {  	_ =	swait.ge @!p0 [sflag:s21], $0x8000  }
0x15: {  	[sflag:s21] =	ssyncset.done @!p0 $0x0  }
0x16: {  	[sflag:s21] =	ssyncadd.s32 @!p0 $0xFFFF8000  }
0x17: {  	v3 =	vld [tilespmem:s9+$0xFFFFFF80];
	_ =	sdelay $0x4  }
0x18: {  	v4 =	vperm.xlane v3, v0  }
0x19: {  	v3 =	vperm.xlane v3, v1  }
0x1a: {  	v4 =	vadd.s32 v2, v4  }
0x1b: {  	v3 =	vadd.s32 v2, v3;
	[tilespmem:$0x6400] =	vst v4  }
0x1c: {  	[tilespmem:$0x6410] =	vst v3  }
0x1d: {  	v3 =	vld [tilespmem:s9+$0xFFFFFF90];
	_ =	sdelay $0x4  }
0x1e: {  	v4 =	vperm.xlane v3, v0  }
0x1f: {  	v3 =	vperm.xlane v3, v1  }
0x20: {  	v4 =	vadd.s32 v2, v4  }
0x21: {  	v3 =	vadd.s32 v2, v3;
	[tilespmem:$0x6420] =	vst v4  }
0x22: {  	[tilespmem:$0x6430] =	vst v3  }
0x23: {  	v3 =	vld [tilespmem:s9+$0xFFFFFFA0];
	_ =	sdelay $0x4  }
0x24: {  	v4 =	vperm.xlane v3, v0  }
0x25: {  	v3 =	vperm.xlane v3, v1  }
0x26: {  	v4 =	vadd.s32 v2, v4  }
0x27: {  	v3 =	vadd.s32 v2, v3;
	[tilespmem:$0x6440] =	vst v4  }
0x28: {  	[tilespmem:$0x6450] =	vst v3  }
0x29: {  	v3 =	vld [tilespmem:s9+$0xFFFFFFB0];
	_ =	sdelay $0x4  }
0x2a: {  	v4 =	vperm.xlane v3, v0  }
0x2b: {  	v3 =	vperm.xlane v3, v1  }
0x2c: {  	v4 =	vadd.s32 v2, v4  }
0x2d: {  	v3 =	vadd.s32 v2, v3;
	[tilespmem:$0x6460] =	vst v4  }
0x2e: {  	[tilespmem:$0x6470] =	vst v3  }
0x2f: {  	v3 =	vld [tilespmem:s9+$0xFFFFFFC0];
	_ =	sdelay $0x4  }
0x30: {  	v4 =	vperm.xlane v3, v0  }
0x31: {  	v3 =	vperm.xlane v3, v1  }
0x32: {  	v4 =	vadd.s32 v2, v4  }
0x33: {  	v3 =	vadd.s32 v2, v3;
	[tilespmem:$0x6480] =	vst v4  }
0x34: {  	[tilespmem:$0x6490] =	vst v3  }
0x35: {  	v3 =	vld [tilespmem:s9+$0xFFFFFFD0];
	_ =	sdelay $0x4  }
0x36: {  	v4 =	vperm.xlane v3, v0  }
0x37: {  	v3 =	vperm.xlane v3, v1  }
0x38: {  	v4 =	vadd.s32 v2, v4  }
0x39: {  	v3 =	vadd.s32 v2, v3;
	[tilespmem:$0x64A0] =	vst v4  }
0x3a: {  	[tilespmem:$0x64B0] =	vst v3  }
0x3b: {  	v3 =	vld [tilespmem:s9+$0xFFFFFFE0];
	_ =	sdelay $0x4  }
0x3c: {  	v4 =	vperm.xlane v3, v0  }
0x3d: {  	v3 =	vperm.xlane v3, v1  }
0x3e: {  	v4 =	vadd.s32 v2, v4  }
0x3f: {  	v3 =	vadd.s32 v2, v3;
	[tilespmem:$0x64C0] =	vst v4  }
0x40: {  	[tilespmem:$0x64D0] =	vst v3  }
0x41: {  	v3 =	vld [tilespmem:s9+$0xFFFFFFF0];
	_ =	sdelay $0x4  }
0x42: {  	v4 =	vperm.xlane v3, v0  }
0x43: {  	v3 =	vperm.xlane v3, v1  }
0x44: {  	v4 =	vadd.s32 v2, v4  }
0x45: {  	v3 =	vadd.s32 v2, v3;
	[tilespmem:$0x64E0] =	vst v4  }
0x46: {  	[tilespmem:$0x64F0] =	vst v3  }
0x47: {  	[tilespmem:s11], [sflag:$0x1] =	stream.indirect.gather [hbm4b:s3+s9], $0x80, s10, s9, $0xb8;
	[tilespmem:$0x16600] =	vst v63  }
0x48: {  	_ = 	snop  }
0x49: {  	[tilespmem:s13], [sflag:$0x1] =	stream.indirect.gather [hbm4b:s3+s9], $0x80, s12, s9, $0xb8;
	[tilespmem:$0x16600] =	vst v63  }
0x4a: {  	_ =	swait.ge @!p0 [sflag:s21], $0x8000  }
0x4b: {  	[sflag:s21] =	ssyncset.done @!p0 $0x0  }
0x4c: {  	[sflag:s21] =	ssyncadd.s32 @!p0 $0xFFFF8000  }
0x4d: {  	v3 =	vld [tilespmem:s9+$0x0];
	_ =	sdelay $0x4  }
0x4e: {  	v4 =	vperm.xlane v3, v0  }
0x4f: {  	v3 =	vperm.xlane v3, v1  }
0x50: {  	v4 =	vadd.s32 v2, v4  }
0x51: {  	v3 =	vadd.s32 v2, v3;
	[tilespmem:$0x6500] =	vst v4  }
0x52: {  	[tilespmem:$0x6510] =	vst v3  }
0x53: {  	v3 =	vld [tilespmem:s9+$0x10];
	_ =	sdelay $0x4  }
0x54: {  	v4 =	vperm.xlane v3, v0  }
0x55: {  	v3 =	vperm.xlane v3, v1  }
0x56: {  	v4 =	vadd.s32 v2, v4  }
0x57: {  	v3 =	vadd.s32 v2, v3;
	[tilespmem:$0x6520] =	vst v4  }
0x58: {  	[tilespmem:$0x6530] =	vst v3  }
0x59: {  	v3 =	vld [tilespmem:s9+$0x20];
	_ =	sdelay $0x4  }
0x5a: {  	v4 =	vperm.xlane v3, v0  }
0x5b: {  	v3 =	vperm.xlane v3, v1  }
0x5c: {  	v4 =	vadd.s32 v2, v4  }
0x5d: {  	v3 =	vadd.s32 v2, v3;
	[tilespmem:$0x6540] =	vst v4  }
0x5e: {  	[tilespmem:$0x6550] =	vst v3  }
0x5f: {  	v3 =	vld [tilespmem:s9+$0x30];
	_ =	sdelay $0x4  }
0x60: {  	v4 =	vperm.xlane v3, v0  }
0x61: {  	v3 =	vperm.xlane v3, v1  }
0x62: {  	v4 =	vadd.s32 v2, v4  }
0x63: {  	v3 =	vadd.s32 v2, v3;
	[tilespmem:$0x6560] =	vst v4  }
0x64: {  	[tilespmem:$0x6570] =	vst v3  }
0x65: {  	v3 =	vld [tilespmem:s9+$0x40];
	_ =	sdelay $0x4  }
0x66: {  	v4 =	vperm.xlane v3, v0  }
0x67: {  	v3 =	vperm.xlane v3, v1  }
0x68: {  	v4 =	vadd.s32 v2, v4  }
0x69: {  	v3 =	vadd.s32 v2, v3;
	[tilespmem:$0x6580] =	vst v4  }
0x6a: {  	[tilespmem:$0x6590] =	vst v3  }
0x6b: {  	v3 =	vld [tilespmem:s9+$0x50];
	_ =	sdelay $0x4  }
0x6c: {  	v4 =	vperm.xlane v3, v0  }
0x6d: {  	v3 =	vperm.xlane v3, v1  }
0x6e: {  	v4 =	vadd.s32 v2, v4  }
0x6f: {  	v3 =	vadd.s32 v2, v3;
	[tilespmem:$0x65A0] =	vst v4  }
0x70: {  	[tilespmem:$0x65B0] =	vst v3  }
0x71: {  	v3 =	vld [tilespmem:s9+$0x60];
	_ =	sdelay $0x4  }
0x72: {  	v4 =	vperm.xlane v3, v0  }
0x73: {  	v3 =	vperm.xlane v3, v1  }
0x74: {  	v4 =	vadd.s32 v2, v4  }
0x75: {  	v3 =	vadd.s32 v2, v3;
	[tilespmem:$0x65C0] =	vst v4  }
0x76: {  	[tilespmem:$0x65D0] =	vst v3  }
0x77: {  	v3 =	vld [tilespmem:s9+$0x70];
	_ =	sdelay $0x4  }
0x78: {  	v4 =	vperm.xlane v3, v0  }
0x79: {  	v3 =	vperm.xlane v3, v1  }
0x7a: {  	v4 =	vadd.s32 v2, v4  }
0x7b: {  	s22 =	simm.s32 $0x2000;
	s23 =	simm.s32 $0x80;
	s21 =	simm.s32 $0x0;
	v3 =	vadd.s32 v2, v3;
	[tilespmem:$0x65E0] =	vst v4  }
.LBB2_2:
0x7c: {  	[tilespmem:$0x65F0] =	vst v3;
	s23 =	sadd.s32 $0x100, s23;
	s25 =	smov.u32 s22;
	s22 =	sadd.s32 $0x2000, s22  }
0x7d: {  	[tilespmem:s15], [sflag:$0x1] =	stream.indirect.gather [hbm4b:s3+s9], $0x80, s14, s9, $0xb8;
	[tilespmem:$0x16600] =	vst v63  }
0x7e: {  	p0 =	sne.s32 s22, $0xC8000  }
0x7f: {  	[tilespmem:s17], [sflag:$0x1] =	stream.indirect.gather [hbm4b:s3+s9], $0x80, s16, s9, $0xb8;
	[tilespmem:$0x16600] =	vst v63  }
0x80: {  	_ =	swait.ge [sflag:s18], $0x4000  }
0x81: {  	[sflag:s18] =	ssyncset.done $0x0  }
0x82: {  	[sflag:s18] =	ssyncadd.s32 $0xFFFFC000  }
0x83: {  	_ =	swait.ge [sflag:s18], $0x4000  }
0x84: {  	[sflag:s18] =	ssyncset.done $0x0  }
0x85: {  	s24 =	sadd.s32 s21, s7;
	[sflag:s18] =	ssyncadd.s32 $0xFFFFC000  }
0x86: {  	[hbm4b:s24+s2] =	stream.linear.scatter [tilespmem:s11], [sflag:$0x2], $0x8000, $0x38;
	[tilespmem:$0x16600] =	vst v63  }
0x87: {  	_ =	swait.ge [sflag:s18], $0x4000  }
0x88: {  	[sflag:s18] =	ssyncset.done $0x0  }
0x89: {  	[sflag:s18] =	ssyncadd.s32 $0xFFFFC000  }
0x8a: {  	_ =	swait.ge [sflag:s18], $0x4000  }
0x8b: {  	p1 =	seq.s32 s25, $0x0;
	[sflag:s18] =	ssyncset.done $0x0  }
0x8c: {  	s21 =	sadd.s32 s21, s6;
	s24 =	simm.s32 @!p1 $0x2;
	[sflag:s18] =	ssyncadd.s32 $0xFFFFC000  }
0x8d: {  	[hbm4b:s21+s2] =	stream.linear.scatter [tilespmem:s15], [sflag:$0x2], $0x8000, $0x38;
	[tilespmem:$0x16600] =	vst v63  }
0x8e: {  	s21 =	smov.u32 s25;
	_ =	swait.ge @!p1 [sflag:s24], $0x8000  }
0x8f: {  	[sflag:s24] =	ssyncset.done @!p1 $0x0  }
0x90: {  	[sflag:s24] =	ssyncadd.s32 @!p1 $0xFFFF8000  }
0x91: {  	v3 =	vld [tilespmem:s23+$0xFFFFFF80];
	_ =	sdelay $0x4  }
0x92: {  	v4 =	vperm.xlane v3, v0;
	v3 =	vperm.xlane v3, v1;
	_ =	sdelay $0x1  }
0x93: {  	v4 =	vadd.s32 v2, v4;
	v3 =	vadd.s32 v2, v3  }
0x94: {  	[tilespmem:$0x6400] =	vst v4  }
0x95: {  	[tilespmem:$0x6410] =	vst v3  }
0x96: {  	v3 =	vld [tilespmem:s23+$0xFFFFFF90];
	_ =	sdelay $0x4  }
0x97: {  	v4 =	vperm.xlane v3, v0;
	v3 =	vperm.xlane v3, v1;
	_ =	sdelay $0x1  }
0x98: {  	v4 =	vadd.s32 v2, v4;
	v3 =	vadd.s32 v2, v3  }
0x99: {  	[tilespmem:$0x6420] =	vst v4  }
0x9a: {  	[tilespmem:$0x6430] =	vst v3  }
0x9b: {  	v3 =	vld [tilespmem:s23+$0xFFFFFFA0];
	_ =	sdelay $0x4  }
0x9c: {  	v4 =	vperm.xlane v3, v0;
	v3 =	vperm.xlane v3, v1;
	_ =	sdelay $0x1  }
0x9d: {  	v4 =	vadd.s32 v2, v4;
	v3 =	vadd.s32 v2, v3  }
0x9e: {  	[tilespmem:$0x6440] =	vst v4  }
0x9f: {  	[tilespmem:$0x6450] =	vst v3  }
0xa0: {  	v3 =	vld [tilespmem:s23+$0xFFFFFFB0];
	_ =	sdelay $0x4  }
0xa1: {  	v4 =	vperm.xlane v3, v0;
	v3 =	vperm.xlane v3, v1;
	_ =	sdelay $0x1  }
0xa2: {  	v4 =	vadd.s32 v2, v4;
	v3 =	vadd.s32 v2, v3  }
0xa3: {  	[tilespmem:$0x6460] =	vst v4  }
0xa4: {  	[tilespmem:$0x6470] =	vst v3  }
0xa5: {  	v3 =	vld [tilespmem:s23+$0xFFFFFFC0];
	_ =	sdelay $0x4  }
0xa6: {  	v4 =	vperm.xlane v3, v0;
	v3 =	vperm.xlane v3, v1;
	_ =	sdelay $0x1  }
0xa7: {  	v4 =	vadd.s32 v2, v4;
	v3 =	vadd.s32 v2, v3  }
0xa8: {  	[tilespmem:$0x6480] =	vst v4  }
0xa9: {  	[tilespmem:$0x6490] =	vst v3  }
0xaa: {  	v3 =	vld [tilespmem:s23+$0xFFFFFFD0];
	_ =	sdelay $0x4  }
0xab: {  	v4 =	vperm.xlane v3, v0;
	v3 =	vperm.xlane v3, v1;
	_ =	sdelay $0x1  }
0xac: {  	v4 =	vadd.s32 v2, v4;
	v3 =	vadd.s32 v2, v3  }
0xad: {  	[tilespmem:$0x64A0] =	vst v4  }
0xae: {  	[tilespmem:$0x64B0] =	vst v3  }
0xaf: {  	v3 =	vld [tilespmem:s23+$0xFFFFFFE0];
	_ =	sdelay $0x4  }
0xb0: {  	v4 =	vperm.xlane v3, v0;
	v3 =	vperm.xlane v3, v1;
	_ =	sdelay $0x1  }
0xb1: {  	v4 =	vadd.s32 v2, v4;
	v3 =	vadd.s32 v2, v3  }
0xb2: {  	[tilespmem:$0x64C0] =	vst v4  }
0xb3: {  	[tilespmem:$0x64D0] =	vst v3  }
0xb4: {  	v3 =	vld [tilespmem:s23+$0xFFFFFFF0];
	_ =	sdelay $0x4  }
0xb5: {  	v4 =	vperm.xlane v3, v0;
	v3 =	vperm.xlane v3, v1;
	_ =	sdelay $0x1  }
0xb6: {  	v4 =	vadd.s32 v2, v4;
	v3 =	vadd.s32 v2, v3  }
0xb7: {  	[tilespmem:$0x64E0] =	vst v4  }
0xb8: {  	[tilespmem:$0x64F0] =	vst v3  }
0xb9: {  	[tilespmem:s11], [sflag:$0x1] =	stream.indirect.gather [hbm4b:s3+s9], $0x80, s10, s9, $0xb8;
	[tilespmem:$0x16600] =	vst v63  }
0xba: {  	_ = 	snop  }
0xbb: {  	[tilespmem:s13], [sflag:$0x1] =	stream.indirect.gather [hbm4b:s3+s9], $0x80, s12, s9, $0xb8;
	[tilespmem:$0x16600] =	vst v63  }
0xbc: {  	_ =	swait.ge @!p1 [sflag:s24], $0x8000  }
0xbd: {  	[sflag:s24] =	ssyncset.done @!p1 $0x0  }
0xbe: {  	[sflag:s24] =	ssyncadd.s32 @!p1 $0xFFFF8000  }
0xbf: {  	v3 =	vld [tilespmem:s23+$0x0];
	_ =	sdelay $0x4  }
0xc0: {  	v4 =	vperm.xlane v3, v0;
	v3 =	vperm.xlane v3, v1;
	_ =	sdelay $0x1  }
0xc1: {  	v4 =	vadd.s32 v2, v4;
	v3 =	vadd.s32 v2, v3  }
0xc2: {  	[tilespmem:$0x6500] =	vst v4  }
0xc3: {  	[tilespmem:$0x6510] =	vst v3  }
0xc4: {  	v3 =	vld [tilespmem:s23+$0x10];
	_ =	sdelay $0x4  }
0xc5: {  	v4 =	vperm.xlane v3, v0;
	v3 =	vperm.xlane v3, v1;
	_ =	sdelay $0x1  }
0xc6: {  	v4 =	vadd.s32 v2, v4;
	v3 =	vadd.s32 v2, v3  }
0xc7: {  	[tilespmem:$0x6520] =	vst v4  }
0xc8: {  	[tilespmem:$0x6530] =	vst v3  }
0xc9: {  	v3 =	vld [tilespmem:s23+$0x20];
	_ =	sdelay $0x4  }
0xca: {  	v4 =	vperm.xlane v3, v0;
	v3 =	vperm.xlane v3, v1;
	_ =	sdelay $0x1  }
0xcb: {  	v4 =	vadd.s32 v2, v4;
	v3 =	vadd.s32 v2, v3  }
0xcc: {  	[tilespmem:$0x6540] =	vst v4  }
0xcd: {  	[tilespmem:$0x6550] =	vst v3  }
0xce: {  	v3 =	vld [tilespmem:s23+$0x30];
	_ =	sdelay $0x4  }
0xcf: {  	v4 =	vperm.xlane v3, v0;
	v3 =	vperm.xlane v3, v1;
	_ =	sdelay $0x1  }
0xd0: {  	v4 =	vadd.s32 v2, v4;
	v3 =	vadd.s32 v2, v3  }
0xd1: {  	[tilespmem:$0x6560] =	vst v4  }
0xd2: {  	[tilespmem:$0x6570] =	vst v3  }
0xd3: {  	v3 =	vld [tilespmem:s23+$0x40];
	_ =	sdelay $0x4  }
0xd4: {  	v4 =	vperm.xlane v3, v0;
	v3 =	vperm.xlane v3, v1;
	_ =	sdelay $0x1  }
0xd5: {  	v4 =	vadd.s32 v2, v4;
	v3 =	vadd.s32 v2, v3  }
0xd6: {  	[tilespmem:$0x6580] =	vst v4  }
0xd7: {  	[tilespmem:$0x6590] =	vst v3  }
0xd8: {  	v3 =	vld [tilespmem:s23+$0x50];
	_ =	sdelay $0x4  }
0xd9: {  	v4 =	vperm.xlane v3, v0;
	v3 =	vperm.xlane v3, v1;
	_ =	sdelay $0x1  }
0xda: {  	v4 =	vadd.s32 v2, v4;
	v3 =	vadd.s32 v2, v3  }
0xdb: {  	[tilespmem:$0x65A0] =	vst v4  }
0xdc: {  	[tilespmem:$0x65B0] =	vst v3  }
0xdd: {  	v3 =	vld [tilespmem:s23+$0x60];
	_ =	sdelay $0x4  }
0xde: {  	v4 =	vperm.xlane v3, v0;
	v3 =	vperm.xlane v3, v1;
	_ =	sdelay $0x1  }
0xdf: {  	v4 =	vadd.s32 v2, v4;
	v3 =	vadd.s32 v2, v3  }
0xe0: {  	[tilespmem:$0x65C0] =	vst v4  }
0xe1: {  	[tilespmem:$0x65D0] =	vst v3  }
0xe2: {  	v3 =	vld [tilespmem:s23+$0x70];
	_ =	sdelay $0x3  }
.Ltmp0:
0xe3: {  	(pc) =	sbr.rel @p0 .LBB2_2-.Ltmp0, $3  }
0xe4: {  	v4 =	vperm.xlane v3, v0;
	v3 =	vperm.xlane v3, v1;
	_ =	sdelay $0x1  }
0xe5: {  	v4 =	vadd.s32 v2, v4;
	v3 =	vadd.s32 v2, v3  }
0xe6: {  	[tilespmem:$0x65E0] =	vst v4  }
0xe7: {  	[tilespmem:$0x65F0] =	vst v3  }
0xe8: {  	[tilespmem:s15], [sflag:$0x1] =	stream.indirect.gather [hbm4b:s3+s9], $0x80, s14, s9, $0xb8;
	[tilespmem:$0x16600] =	vst v63  }
0xe9: {  	_ = 	snop  }
0xea: {  	[tilespmem:s17], [sflag:$0x1] =	stream.indirect.gather [hbm4b:s3+s9], $0x80, s16, s9, $0xb8;
	[tilespmem:$0x16600] =	vst v63  }
0xeb: {  	_ =	swait.ge [sflag:s18], $0x4000  }
0xec: {  	[sflag:s18] =	ssyncset.done $0x0  }
0xed: {  	[sflag:s18] =	ssyncadd.s32 $0xFFFFC000  }
0xee: {  	_ =	swait.ge [sflag:s18], $0x4000  }
0xef: {  	[sflag:s18] =	ssyncset.done $0x0  }
0xf0: {  	s22 =	sadd.s32 s21, s7;
	[sflag:s18] =	ssyncadd.s32 $0xFFFFC000  }
0xf1: {  	[hbm4b:s22+s2] =	stream.linear.scatter [tilespmem:s11], [sflag:$0x2], $0x8000, $0x38;
	[tilespmem:$0x16600] =	vst v63  }
0xf2: {  	_ =	swait.ge [sflag:s18], $0x4000  }
0xf3: {  	[sflag:s18] =	ssyncset.done $0x0  }
0xf4: {  	[sflag:s18] =	ssyncadd.s32 $0xFFFFC000  }
0xf5: {  	_ =	swait.ge [sflag:s18], $0x4000  }
0xf6: {  	[sflag:s18] =	ssyncset.done $0x0  }
0xf7: {  	s31 =	sadd.s32 s21, s6;
	s20 =	sadd.s32 $0x1, s20;
	[sflag:s18] =	ssyncadd.s32 $0xFFFFC000  }
0xf8: {  	[hbm4b:s31+s2] =	stream.linear.scatter [tilespmem:s15], [sflag:$0x2], $0x8000, $0x38;
	[tilespmem:$0x16600] =	vst v63  }
0xf9: {  	p0 =	sne.s32 s20, s5;
	_ =	swait.ge [sflag:s19], $0x8000  }
.Ltmp1:
0xfa: {  	[sflag:s19] =	ssyncset.done $0x0;
	(pc) =	sbr.rel @p0 .LBB2_1-.Ltmp1, $4  }
0xfb: {  	[sflag:s19] =	ssyncadd.s32 $0xFFFF8000  }
0xfc: {  	_ =	swait.ge [sflag:s19], $0x8000  }
0xfd: {  	[sflag:s19] =	ssyncset.done $0x0  }
0xfe: {  	[sflag:s19] =	ssyncadd.s32 $0xFFFF8000  }
0xff: {  	_ =	sfence.sel $0x180000  }
0x100: {  	[bflag:$0x0] =	sbarrier.arrive $0xFFFF  }
0x101: {  	p0 =	sne.s32 s0, $0x0;
	_ =	strace $0x90000047  }
0x102: {  	s0 =	sadd.s32 @!p0 $0x100000, s1;
	[bflag:$0x2] =	sbarrier.arrive $0xFFFF  }
0x103: {  	[sflag:s0] =	ssyncadd.tile.s32 @!p0 $0x1;
	_ =	shalt  }
.Lfunc_end2:
_tile_overlayer_lowered:
.L_overlay_start_2:
0x104: {  	(tag) =	ssettag $0x2  }
0x105: {  	s0 =	rddreg [dreg:$0x0];
	s2 =	stileid.u32  }
0x106: {  	s1 =	rddreg [dreg:$0x1];
	p0 =	sne.s32 s2, $0x0  }
0x107: {  	s3 =	rddreg [dreg:$0x2];
	[bflag:$0x3] =	sbarrier.arrive $0xFFFF;
	s2 =	simm.s32 @!p0 $0x1C03  }
0x108: {  	[timem:s3], [sflag:s2] =	dma.local @!p0 [hbm:s0], s1  }
0x109: {  	s0 =	simm.s32 @!p0 $0x3  }
0x10a: {  	_ =	swait.ge @!p0 [sflag:s0], s1  }
0x10b: {  	s1 =	ssub.s32 @!p0 $0x0, s1;
	[sflag:s0] =	ssyncset.done @!p0 $0x0  }
0x10c: {  	[sflag:s0] =	ssyncadd.s32 @!p0 s1  }
0x10d: {  	[bflag:$0x3] =	sbarrier.arrive $0xFFFF  }
0x10e: {  	_ =	shalt  }

</sc_bundles>
